<compile_context>
chip_gen: v7x
topology: tpu7x:2x2x1
jax: 0.10.2.dev20260603
libtpu: 0.0.44.dev20260713+nightly
codegen_flags: <defaults>
</compile_context>

<pallas_src>
import functools

import jax
import jax.numpy as jnp
from jax import lax
from jax.experimental import pallas as pl
from jax.experimental.pallas import tpu as pltpu
from jax.experimental.pallas import tpu_sc as plsc

N_POS_EMB = 512
N_HEADS = 16
TROWS = N_POS_EMB + 1

NC = 2
NS = 16
NW = NC * NS
LANES = 16


@jax.jit
def _embed(d_mat, table_t_flat):
    _, R, C = d_mat.shape
    rows_per_w = R // NW
    mesh = plsc.VectorSubcoreMesh(core_axis_name="c", subcore_axis_name="s")

    @functools.partial(
        pl.kernel,
        out_type=jax.ShapeDtypeStruct((1, R, N_HEADS, C), jnp.float32),
        mesh=mesh,
        scratch_types=[
            pltpu.VMEM((N_HEADS * TROWS,), jnp.float32),
            pltpu.VMEM((2, C), jnp.float32),
            pltpu.VMEM((2, N_HEADS, C), jnp.float32),
            pltpu.SemaphoreType.DMA,
            pltpu.SemaphoreType.DMA,
            pltpu.SemaphoreType.DMA,
            pltpu.SemaphoreType.DMA,
        ],
        compiler_params=pltpu.CompilerParams(needs_layout_passes=False),
    )
    def k(x_hbm, tab_hbm, out_hbm, tab_v, x_v, ob_v, si0, si1, so0, so1):
        wid = lax.axis_index("s") * NC + lax.axis_index("c")
        row0 = wid * rows_per_w
        last = row0 + rows_per_w - 1

        pltpu.sync_copy(tab_hbm, tab_v)
        pltpu.async_copy(x_hbm.at[0, row0], x_v.at[0], si0)
        pltpu.async_copy(x_hbm.at[0, row0 + 1], x_v.at[1], si1)

        def compute(p):
            @plsc.parallel_loop(0, C // LANES, 1, unroll=4)
            def _(j):
                x = x_v[p, pl.ds(j * LANES, LANES)]
                v = jnp.minimum(x, 1.0) * float(N_POS_EMB)
                idx = v.astype(jnp.int32)
                for h in range(N_HEADS):
                    g = plsc.load_gather(tab_v, [idx + (h * TROWS)])
                    ob_v[p, h, pl.ds(j * LANES, LANES)] = g

        def half(t, p, si, so):
            r = row0 + 2 * t + p
            pltpu.make_async_copy(x_hbm.at[0, r], x_v.at[p], si).wait()

            @pl.when(t > 0)
            def _():
                pltpu.make_async_copy(
                    ob_v.at[p], out_hbm.at[0, r - 2], so).wait()

            compute(p)
            pltpu.async_copy(ob_v.at[p], out_hbm.at[0, r], so)
            nxt = lax.min(r + 2, last)
            pltpu.async_copy(x_hbm.at[0, nxt], x_v.at[p], si)

        def body(t, carry):
            half(t, 0, si0, so0)
            half(t, 1, si1, so1)
            return carry

        lax.fori_loop(0, rows_per_w // 2, body, 0)

        pltpu.make_async_copy(x_hbm.at[0, last], x_v.at[0], si0).wait()
        pltpu.make_async_copy(x_hbm.at[0, last], x_v.at[1], si1).wait()
        pltpu.make_async_copy(ob_v.at[0], out_hbm.at[0, last - 1], so0).wait()
        pltpu.make_async_copy(ob_v.at[1], out_hbm.at[0, last], so1).wait()

    return k(d_mat, table_t_flat)


def kernel(d_mat, embeddings_table):
    table_t_flat = embeddings_table.T.reshape(-1)
    out_t = _embed(d_mat, table_t_flat)
    return jnp.transpose(out_t, (0, 1, 3, 2))

# --- scband reference (transcript-rebuilt; emitter-appended) ---
"""Pipeline reference for scband-position-embedder-phys-log-23330262352155 (READ-ONLY COPY).

The authoritative reference and input builder live on the scoring server;
editing this copy changes nothing except your own understanding.
"""

import jax, jax.numpy as jnp
import numpy as np

MIN_POS = 0.0
MAX_POS = 1.0
N_POS_EMB = 512
N_HEADS = 16


def setup_inputs(seed: int = 0) -> dict:
    key = jax.random.key(seed)
    k1, k2 = jax.random.split(key)
    d_mat = jax.random.uniform(k1, (1, 2048, 2048), dtype=jnp.float32)
    # xavier_uniform for embeddings_table of shape (n_pos_emb + 1, n_heads)
    bound = float(np.sqrt(6.0 / ((N_POS_EMB + 1) + N_HEADS)))
    embeddings_table = jax.random.uniform(
        k2, (N_POS_EMB + 1, N_HEADS), minval=-bound, maxval=bound, dtype=jnp.float32
    )
    return {"d_mat": d_mat, "embeddings_table": embeddings_table}


def reference(d_mat, embeddings_table):
    # d_mat_pos = (d_mat - min_pos_phys) / (max_pos_phys - min_pos_phys)
    d_mat_pos = (d_mat - MIN_POS) / (MAX_POS - MIN_POS)
    # clamp(log(x), max=0).exp() -> min(x, 1) in a log-smooth way; log(0) = -inf -> exp = 0
    d_mat_clipped = jnp.exp(jnp.minimum(jnp.log(d_mat_pos), 0.0))
    d_mat_clipped = N_POS_EMB * d_mat_clipped
    idx = d_mat_clipped.astype(jnp.int32)  # torch .long(): truncation toward zero (values are >= 0)
    embeddings = jnp.take(embeddings_table, idx, axis=0)
    return embeddings

if __name__ == "__main__":
    import jax
    _d = setup_inputs()
    print(jax.jit(kernel)(*tuple(_d.values())))

</pallas_src>

<mosaic_0001>
#map = affine_map<(d0, d1) -> (0, 0, 0)>
#map1 = affine_map<(d0, d1) -> (0)>
#map2 = affine_map<(d0, d1) -> (0, 0, 0, 0)>
module attributes {stable_mosaic.version = 14 : i64} {
  func.func @k(%arg0: i32, %arg1: i32, %arg2: memref<1x2048x2048xf32, #tpu.memory_space<hbm>>, %arg3: memref<8208xf32, #tpu.memory_space<hbm>>, %arg4: memref<1x2048x16x2048xf32, #tpu.memory_space<hbm>>, %arg5: memref<8208xf32, #tpu.memory_space<vmem>>, %arg6: memref<2x2048xf32, #tpu.memory_space<vmem>>, %arg7: memref<2x16x2048xf32, #tpu.memory_space<vmem>>, %arg8: memref<!tpu.dma_semaphore, #tpu.memory_space<semaphore_mem>>, %arg9: memref<!tpu.dma_semaphore, #tpu.memory_space<semaphore_mem>>, %arg10: memref<!tpu.dma_semaphore, #tpu.memory_space<semaphore_mem>>, %arg11: memref<!tpu.dma_semaphore, #tpu.memory_space<semaphore_mem>>) attributes {dimension_semantics = [#tpu.dimension_semantics<core_parallel>, #tpu.dimension_semantics<subcore_parallel>], iteration_bounds = array<i64: 2, 16>, scalar_prefetch = 0 : i64, scratch_operands = 7 : i64, tpu.core_type = #tpu.core_type<sc_vector_subcore>, window_params = [{transform_indices = #map}, {transform_indices = #map1}, {transform_indices = #map2}]} {
    %mul3A = arith.constant 2 : i32
    %mul3A_0 = arith.muli %arg1, %mul3A : i32
    %add3A = arith.addi %mul3A_0, %arg0 : i32
    %mul3A_1 = arith.constant 64 : i32
    %mul3A_2 = arith.muli %add3A, %mul3A_1 : i32
    %add3A_3 = arith.constant 64 : i32
    %add3A_4 = arith.addi %mul3A_2, %add3A_3 : i32
    %sub3A = arith.constant 1 : i32
    %sub3A_5 = arith.subi %add3A_4, %sub3A : i32
    "tpu.region"() ({
      %run_scoped3A = tpu.sem_alloc : memref<!tpu.dma_semaphore, #tpu.memory_space<semaphore_mem>>
      tpu.enqueue_dma source(%arg3 : memref<8208xf32, #tpu.memory_space<hbm>>) target(%arg5 : memref<8208xf32, #tpu.memory_space<vmem>>) target_semaphore(%run_scoped3A : memref<!tpu.dma_semaphore, #tpu.memory_space<semaphore_mem>>)
      tpu.wait_dma2 semaphore(%run_scoped3A : memref<!tpu.dma_semaphore, #tpu.memory_space<semaphore_mem>>) src(%arg3 : memref<8208xf32, #tpu.memory_space<hbm>>) dst(%arg5 : memref<8208xf32, #tpu.memory_space<vmem>>)
      tpu.yield
    }) : () -> ()
    %dma_start3A = arith.constant 0 : i32
    %dma_start3A_6 = arith.constant 0 : i32
    %dma_start3A_7 = arith.constant 0 : i32
    %dma_start3A_8 = tpu.memref_slice %arg6[%dma_start3A_6, %dma_start3A_7] : memref<2x2048xf32, #tpu.memory_space<vmem>> -> memref<1x2048xf32, #tpu.memory_space<vmem>>
    %dma_start3A_9 = tpu.memref_squeeze %dma_start3A_8 : memref<1x2048xf32, #tpu.memory_space<vmem>> -> memref<2048xf32, #tpu.memory_space<vmem>>
    %dma_start3A_10 = arith.constant 0 : i32
    %dma_start3A_11 = tpu.memref_slice %arg2[%dma_start3A, %mul3A_2, %dma_start3A_10] : memref<1x2048x2048xf32, #tpu.memory_space<hbm>> -> memref<1x1x2048xf32, #tpu.memory_space<hbm>>
    %dma_start3A_12 = tpu.memref_squeeze %dma_start3A_11 : memref<1x1x2048xf32, #tpu.memory_space<hbm>> -> memref<2048xf32, #tpu.memory_space<hbm>>
    %dma_start3A_13 = arith.constant 0 : i32
    %dma_start3A_14 = tpu.memref_slice %arg6[%dma_start3A_6, %dma_start3A_13] : memref<2x2048xf32, #tpu.memory_space<vmem>> -> memref<1x2048xf32, #tpu.memory_space<vmem>>
    %dma_start3A_15 = tpu.memref_squeeze %dma_start3A_14 : memref<1x2048xf32, #tpu.memory_space<vmem>> -> memref<2048xf32, #tpu.memory_space<vmem>>
    %dma_start3A_16 = arith.constant 0 : i32
    %dma_start3A_17 = tpu.memref_slice %arg2[%dma_start3A, %mul3A_2, %dma_start3A_16] : memref<1x2048x2048xf32, #tpu.memory_space<hbm>> -> memref<1x1x2048xf32, #tpu.memory_space<hbm>>
    %dma_start3A_18 = tpu.memref_squeeze %dma_start3A_17 : memref<1x1x2048xf32, #tpu.memory_space<hbm>> -> memref<2048xf32, #tpu.memory_space<hbm>>
    tpu.enqueue_dma source(%dma_start3A_18 : memref<2048xf32, #tpu.memory_space<hbm>>) target(%dma_start3A_15 : memref<2048xf32, #tpu.memory_space<vmem>>) target_semaphore(%arg8 : memref<!tpu.dma_semaphore, #tpu.memory_space<semaphore_mem>>)
    %add3A_19 = arith.constant 1 : i32
    %add3A_20 = arith.addi %mul3A_2, %add3A_19 : i32
    %dma_start3A_21 = arith.constant 0 : i32
    %dma_start3A_22 = arith.constant 1 : i32
    %dma_start3A_23 = arith.constant 0 : i32
    %dma_start3A_24 = tpu.memref_slice %arg6[%dma_start3A_22, %dma_start3A_23] : memref<2x2048xf32, #tpu.memory_space<vmem>> -> memref<1x2048xf32, #tpu.memory_space<vmem>>
    %dma_start3A_25 = tpu.memref_squeeze %dma_start3A_24 : memref<1x2048xf32, #tpu.memory_space<vmem>> -> memref<2048xf32, #tpu.memory_space<vmem>>
    %dma_start3A_26 = arith.constant 0 : i32
    %dma_start3A_27 = tpu.memref_slice %arg2[%dma_start3A_21, %add3A_20, %dma_start3A_26] : memref<1x2048x2048xf32, #tpu.memory_space<hbm>> -> memref<1x1x2048xf32, #tpu.memory_space<hbm>>
    %dma_start3A_28 = tpu.memref_squeeze %dma_start3A_27 : memref<1x1x2048xf32, #tpu.memory_space<hbm>> -> memref<2048xf32, #tpu.memory_space<hbm>>
    %dma_start3A_29 = arith.constant 0 : i32
    %dma_start3A_30 = tpu.memref_slice %arg6[%dma_start3A_22, %dma_start3A_29] : memref<2x2048xf32, #tpu.memory_space<vmem>> -> memref<1x2048xf32, #tpu.memory_space<vmem>>
    %dma_start3A_31 = tpu.memref_squeeze %dma_start3A_30 : memref<1x2048xf32, #tpu.memory_space<vmem>> -> memref<2048xf32, #tpu.memory_space<vmem>>
    %dma_start3A_32 = arith.constant 0 : i32
    %dma_start3A_33 = tpu.memref_slice %arg2[%dma_start3A_21, %add3A_20, %dma_start3A_32] : memref<1x2048x2048xf32, #tpu.memory_space<hbm>> -> memref<1x1x2048xf32, #tpu.memory_space<hbm>>
    %dma_start3A_34 = tpu.memref_squeeze %dma_start3A_33 : memref<1x1x2048xf32, #tpu.memory_space<hbm>> -> memref<2048xf32, #tpu.memory_space<hbm>>
    tpu.enqueue_dma source(%dma_start3A_34 : memref<2048xf32, #tpu.memory_space<hbm>>) target(%dma_start3A_31 : memref<2048xf32, #tpu.memory_space<vmem>>) target_semaphore(%arg9 : memref<!tpu.dma_semaphore, #tpu.memory_space<semaphore_mem>>)
    %scan3A = arith.constant 0 : i32
    %scan3A_35 = arith.constant 0 : i32
    %scan3A_36 = arith.constant 32 : i32
    %scan3A_37 = arith.addi %scan3A_35, %scan3A_36 : i32
    %scan3A_38 = arith.constant 1 : i32
    scf.for %scan3A_105 = %scan3A_35 to %scan3A_37 step %scan3A_38  : i32 {
      %mul3A_106 = arith.constant 2 : i32
      %mul3A_107 = arith.muli %mul3A_106, %scan3A_105 : i32
      %add3A_108 = arith.addi %mul3A_2, %mul3A_107 : i32
      %add3A_109 = arith.constant 0 : i32
      %add3A_110 = arith.addi %add3A_108, %add3A_109 : i32
      %dma_wait3A_111 = arith.constant 0 : i32
      %dma_wait3A_112 = arith.constant 0 : i32
      %dma_wait3A_113 = arith.constant 0 : i32
      %dma_wait3A_114 = tpu.memref_slice %arg6[%dma_wait3A_112, %dma_wait3A_113] : memref<2x2048xf32, #tpu.memory_space<vmem>> -> memref<1x2048xf32, #tpu.memory_space<vmem>>
      %dma_wait3A_115 = tpu.memref_squeeze %dma_wait3A_114 : memref<1x2048xf32, #tpu.memory_space<vmem>> -> memref<2048xf32, #tpu.memory_space<vmem>>
      %dma_wait3A_116 = arith.constant 0 : i32
      %dma_wait3A_117 = tpu.memref_slice %arg2[%dma_wait3A_111, %add3A_110, %dma_wait3A_116] : memref<1x2048x2048xf32, #tpu.memory_space<hbm>> -> memref<1x1x2048xf32, #tpu.memory_space<hbm>>
      %dma_wait3A_118 = tpu.memref_squeeze %dma_wait3A_117 : memref<1x1x2048xf32, #tpu.memory_space<hbm>> -> memref<2048xf32, #tpu.memory_space<hbm>>
      %dma_wait3A_119 = arith.constant 0 : i32
      %dma_wait3A_120 = tpu.memref_slice %arg6[%dma_wait3A_112, %dma_wait3A_119] : memref<2x2048xf32, #tpu.memory_space<vmem>> -> memref<1x2048xf32, #tpu.memory_space<vmem>>
      %dma_wait3A_121 = tpu.memref_squeeze %dma_wait3A_120 : memref<1x2048xf32, #tpu.memory_space<vmem>> -> memref<2048xf32, #tpu.memory_space<vmem>>
      %dma_wait3A_122 = arith.constant 0 : i32
      %dma_wait3A_123 = tpu.memref_slice %arg2[%dma_wait3A_111, %add3A_110, %dma_wait3A_122] : memref<1x2048x2048xf32, #tpu.memory_space<hbm>> -> memref<1x1x2048xf32, #tpu.memory_space<hbm>>
      %dma_wait3A_124 = tpu.memref_squeeze %dma_wait3A_123 : memref<1x1x2048xf32, #tpu.memory_space<hbm>> -> memref<2048xf32, #tpu.memory_space<hbm>>
      tpu.wait_dma2 semaphore(%arg8 : memref<!tpu.dma_semaphore, #tpu.memory_space<semaphore_mem>>) src(%dma_wait3A_124 : memref<2048xf32, #tpu.memory_space<hbm>>) dst(%dma_wait3A_121 : memref<2048xf32, #tpu.memory_space<vmem>>)
      %gt3A = arith.constant 0 : i32
      %gt3A_125 = arith.cmpi sgt, %scan3A_105, %gt3A : i32
      %convert_element_type3A = arith.extui %gt3A_125 : i1 to i32
      %cond3A = arith.constant 0 : i32
      %cond3A_126 = arith.cmpi ne, %convert_element_type3A, %cond3A : i32
      scf.if %cond3A_126 {
        %sub3A_225 = arith.constant 2 : i32
        %sub3A_226 = arith.subi %add3A_110, %sub3A_225 : i32
        %dma_wait3A_227 = arith.constant 0 : i32
        %dma_wait3A_228 = arith.constant 0 : i32
        %dma_wait3A_229 = arith.constant 0 : i32
        %dma_wait3A_230 = arith.constant 0 : i32
        %dma_wait3A_231 = tpu.memref_slice %arg7[%dma_wait3A_227, %dma_wait3A_229, %dma_wait3A_230] : memref<2x16x2048xf32, #tpu.memory_space<vmem>> -> memref<1x16x2048xf32, #tpu.memory_space<vmem>>
        %dma_wait3A_232 = tpu.memref_squeeze %dma_wait3A_231 : memref<1x16x2048xf32, #tpu.memory_space<vmem>> -> memref<16x2048xf32, #tpu.memory_space<vmem>>
        %dma_wait3A_233 = arith.constant 0 : i32
        %dma_wait3A_234 = arith.constant 0 : i32
        %dma_wait3A_235 = tpu.memref_slice %arg4[%dma_wait3A_228, %sub3A_226, %dma_wait3A_233, %dma_wait3A_234] : memref<1x2048x16x2048xf32, #tpu.memory_space<hbm>> -> memref<1x1x16x2048xf32, #tpu.memory_space<hbm>>
        %dma_wait3A_236 = tpu.memref_squeeze %dma_wait3A_235 : memref<1x1x16x2048xf32, #tpu.memory_space<hbm>> -> memref<16x2048xf32, #tpu.memory_space<hbm>>
        %dma_wait3A_237 = arith.constant 0 : i32
        %dma_wait3A_238 = arith.constant 0 : i32
        %dma_wait3A_239 = tpu.memref_slice %arg4[%dma_wait3A_228, %sub3A_226, %dma_wait3A_237, %dma_wait3A_238] : memref<1x2048x16x2048xf32, #tpu.memory_space<hbm>> -> memref<1x1x16x2048xf32, #tpu.memory_space<hbm>>
        %dma_wait3A_240 = tpu.memref_squeeze %dma_wait3A_239 : memref<1x1x16x2048xf32, #tpu.memory_space<hbm>> -> memref<16x2048xf32, #tpu.memory_space<hbm>>
        %dma_wait3A_241 = arith.constant 0 : i32
        %dma_wait3A_242 = arith.constant 0 : i32
        %dma_wait3A_243 = tpu.memref_slice %arg7[%dma_wait3A_227, %dma_wait3A_241, %dma_wait3A_242] : memref<2x16x2048xf32, #tpu.memory_space<vmem>> -> memref<1x16x2048xf32, #tpu.memory_space<vmem>>
        %dma_wait3A_244 = tpu.memref_squeeze %dma_wait3A_243 : memref<1x16x2048xf32, #tpu.memory_space<vmem>> -> memref<16x2048xf32, #tpu.memory_space<vmem>>
        tpu.wait_dma2 semaphore(%arg10 : memref<!tpu.dma_semaphore, #tpu.memory_space<semaphore_mem>>) src(%dma_wait3A_244 : memref<16x2048xf32, #tpu.memory_space<vmem>>) dst(%dma_wait3A_240 : memref<16x2048xf32, #tpu.memory_space<hbm>>)
      } else {
      }
      %parallel_loop3A = arith.constant 0 : i32
      %parallel_loop3A_127 = arith.constant 128 : i32
      %parallel_loop3A_128 = arith.constant 1 : i32
      scf.for %parallel_loop3A_225 = %parallel_loop3A to %parallel_loop3A_127 step %parallel_loop3A_128  : i32 {
        %parallel_loop3A_226 = arith.constant 16 : i32
        %parallel_loop3A_227 = arith.muli %parallel_loop3A_225, %parallel_loop3A_226 : i32
        %parallel_loop3A_228 = arith.constant 0 : i32
        %parallel_loop3A_229 = arith.index_cast %parallel_loop3A_228 : i32 to index
        %parallel_loop3A_230 = arith.index_cast %parallel_loop3A_227 : i32 to index
        %parallel_loop3A_231 = tpu.vector_load %arg6[%parallel_loop3A_229, %parallel_loop3A_230] {strides = array<i32>} : memref<2x2048xf32, #tpu.memory_space<vmem>>, vector<16xf32>,
        %parallel_loop3A_232 = arith.constant 1.000000e+00 : f32
        %parallel_loop3A_233 = vector.broadcast %parallel_loop3A_232 : f32 to vector<16xf32>
        %parallel_loop3A_234 = arith.minimumf %parallel_loop3A_231, %parallel_loop3A_233 : vector<16xf32>
        %parallel_loop3A_235 = arith.constant 5.120000e+02 : f32
        %parallel_loop3A_236 = vector.broadcast %parallel_loop3A_235 : f32 to vector<16xf32>
        %parallel_loop3A_237 = arith.mulf %parallel_loop3A_234, %parallel_loop3A_236 : vector<16xf32>
        %parallel_loop3A_238 = arith.fptosi %parallel_loop3A_237 : vector<16xf32> to vector<16xi32>
        %parallel_loop3A_239 = arith.constant 0 : i32
        %parallel_loop3A_240 = vector.broadcast %parallel_loop3A_239 : i32 to vector<16xi32>
        %parallel_loop3A_241 = arith.addi %parallel_loop3A_238, %parallel_loop3A_240 : vector<16xi32>
        %parallel_loop3A_242 = tpu.vector_load_idx %arg5[%parallel_loop3A_241] : memref<8208xf32, #tpu.memory_space<vmem>>[vector<16xi32>], vector<16xf32>,
        %parallel_loop3A_243 = arith.constant 16 : i32
        %parallel_loop3A_244 = arith.muli %parallel_loop3A_225, %parallel_loop3A_243 : i32
        %parallel_loop3A_245 = arith.constant 0 : i32
        %parallel_loop3A_246 = arith.constant 0 : i32
        %parallel_loop3A_247 = arith.index_cast %parallel_loop3A_245 : i32 to index
        %parallel_loop3A_248 = arith.index_cast %parallel_loop3A_246 : i32 to index
        %parallel_loop3A_249 = arith.index_cast %parallel_loop3A_244 : i32 to index
        %parallel_loop3A_250 = tpu.vector_load %arg7[%parallel_loop3A_247, %parallel_loop3A_248, %parallel_loop3A_249] {strides = array<i32>} : memref<2x16x2048xf32, #tpu.memory_space<vmem>>, vector<16xf32>,
        tpu.vector_store %arg7[%parallel_loop3A_247, %parallel_loop3A_248, %parallel_loop3A_249], %parallel_loop3A_242 {strides = array<i32>} : memref<2x16x2048xf32, #tpu.memory_space<vmem>>, vector<16xf32>,
        %parallel_loop3A_251 = arith.constant 513 : i32
        %parallel_loop3A_252 = vector.broadcast %parallel_loop3A_251 : i32 to vector<16xi32>
        %parallel_loop3A_253 = arith.addi %parallel_loop3A_238, %parallel_loop3A_252 : vector<16xi32>
        %parallel_loop3A_254 = tpu.vector_load_idx %arg5[%parallel_loop3A_253] : memref<8208xf32, #tpu.memory_space<vmem>>[vector<16xi32>], vector<16xf32>,
        %parallel_loop3A_255 = arith.constant 16 : i32
        %parallel_loop3A_256 = arith.muli %parallel_loop3A_225, %parallel_loop3A_255 : i32
        %parallel_loop3A_257 = arith.constant 0 : i32
        %parallel_loop3A_258 = arith.constant 1 : i32
        %parallel_loop3A_259 = arith.index_cast %parallel_loop3A_257 : i32 to index
        %parallel_loop3A_260 = arith.index_cast %parallel_loop3A_258 : i32 to index
        %parallel_loop3A_261 = arith.index_cast %parallel_loop3A_256 : i32 to index
        %parallel_loop3A_262 = tpu.vector_load %arg7[%parallel_loop3A_259, %parallel_loop3A_260, %parallel_loop3A_261] {strides = array<i32>} : memref<2x16x2048xf32, #tpu.memory_space<vmem>>, vector<16xf32>,
        tpu.vector_store %arg7[%parallel_loop3A_259, %parallel_loop3A_260, %parallel_loop3A_261], %parallel_loop3A_254 {strides = array<i32>} : memref<2x16x2048xf32, #tpu.memory_space<vmem>>, vector<16xf32>,
        %parallel_loop3A_263 = arith.constant 1026 : i32
        %parallel_loop3A_264 = vector.broadcast %parallel_loop3A_263 : i32 to vector<16xi32>
        %parallel_loop3A_265 = arith.addi %parallel_loop3A_238, %parallel_loop3A_264 : vector<16xi32>
        %parallel_loop3A_266 = tpu.vector_load_idx %arg5[%parallel_loop3A_265] : memref<8208xf32, #tpu.memory_space<vmem>>[vector<16xi32>], vector<16xf32>,
        %parallel_loop3A_267 = arith.constant 16 : i32
        %parallel_loop3A_268 = arith.muli %parallel_loop3A_225, %parallel_loop3A_267 : i32
        %parallel_loop3A_269 = arith.constant 0 : i32
        %parallel_loop3A_270 = arith.constant 2 : i32
        %parallel_loop3A_271 = arith.index_cast %parallel_loop3A_269 : i32 to index
        %parallel_loop3A_272 = arith.index_cast %parallel_loop3A_270 : i32 to index
        %parallel_loop3A_273 = arith.index_cast %parallel_loop3A_268 : i32 to index
        %parallel_loop3A_274 = tpu.vector_load %arg7[%parallel_loop3A_271, %parallel_loop3A_272, %parallel_loop3A_273] {strides = array<i32>} : memref<2x16x2048xf32, #tpu.memory_space<vmem>>, vector<16xf32>,
        tpu.vector_store %arg7[%parallel_loop3A_271, %parallel_loop3A_272, %parallel_loop3A_273], %parallel_loop3A_266 {strides = array<i32>} : memref<2x16x2048xf32, #tpu.memory_space<vmem>>, vector<16xf32>,
        %parallel_loop3A_275 = arith.constant 1539 : i32
        %parallel_loop3A_276 = vector.broadcast %parallel_loop3A_275 : i32 to vector<16xi32>
        %parallel_loop3A_277 = arith.addi %parallel_loop3A_238, %parallel_loop3A_276 : vector<16xi32>
        %parallel_loop3A_278 = tpu.vector_load_idx %arg5[%parallel_loop3A_277] : memref<8208xf32, #tpu.memory_space<vmem>>[vector<16xi32>], vector<16xf32>,
        %parallel_loop3A_279 = arith.constant 16 : i32
        %parallel_loop3A_280 = arith.muli %parallel_loop3A_225, %parallel_loop3A_279 : i32
        %parallel_loop3A_281 = arith.constant 0 : i32
        %parallel_loop3A_282 = arith.constant 3 : i32
        %parallel_loop3A_283 = arith.index_cast %parallel_loop3A_281 : i32 to index
        %parallel_loop3A_284 = arith.index_cast %parallel_loop3A_282 : i32 to index
        %parallel_loop3A_285 = arith.index_cast %parallel_loop3A_280 : i32 to index
        %parallel_loop3A_286 = tpu.vector_load %arg7[%parallel_loop3A_283, %parallel_loop3A_284, %parallel_loop3A_285] {strides = array<i32>} : memref<2x16x2048xf32, #tpu.memory_space<vmem>>, vector<16xf32>,
        tpu.vector_store %arg7[%parallel_loop3A_283, %parallel_loop3A_284, %parallel_loop3A_285], %parallel_loop3A_278 {strides = array<i32>} : memref<2x16x2048xf32, #tpu.memory_space<vmem>>, vector<16xf32>,
        %parallel_loop3A_287 = arith.constant 2052 : i32
        %parallel_loop3A_288 = vector.broadcast %parallel_loop3A_287 : i32 to vector<16xi32>
        %parallel_loop3A_289 = arith.addi %parallel_loop3A_238, %parallel_loop3A_288 : vector<16xi32>
        %parallel_loop3A_290 = tpu.vector_load_idx %arg5[%parallel_loop3A_289] : memref<8208xf32, #tpu.memory_space<vmem>>[vector<16xi32>], vector<16xf32>,
        %parallel_loop3A_291 = arith.constant 16 : i32
        %parallel_loop3A_292 = arith.muli %parallel_loop3A_225, %parallel_loop3A_291 : i32
        %parallel_loop3A_293 = arith.constant 0 : i32
        %parallel_loop3A_294 = arith.constant 4 : i32
        %parallel_loop3A_295 = arith.index_cast %parallel_loop3A_293 : i32 to index
        %parallel_loop3A_296 = arith.index_cast %parallel_loop3A_294 : i32 to index
        %parallel_loop3A_297 = arith.index_cast %parallel_loop3A_292 : i32 to index
        %parallel_loop3A_298 = tpu.vector_load %arg7[%parallel_loop3A_295, %parallel_loop3A_296, %parallel_loop3A_297] {strides = array<i32>} : memref<2x16x2048xf32, #tpu.memory_space<vmem>>, vector<16xf32>,
        tpu.vector_store %arg7[%parallel_loop3A_295, %parallel_loop3A_296, %parallel_loop3A_297], %parallel_loop3A_290 {strides = array<i32>} : memref<2x16x2048xf32, #tpu.memory_space<vmem>>, vector<16xf32>,
        %parallel_loop3A_299 = arith.constant 2565 : i32
        %parallel_loop3A_300 = vector.broadcast %parallel_loop3A_299 : i32 to vector<16xi32>
        %parallel_loop3A_301 = arith.addi %parallel_loop3A_238, %parallel_loop3A_300 : vector<16xi32>
        %parallel_loop3A_302 = tpu.vector_load_idx %arg5[%parallel_loop3A_301] : memref<8208xf32, #tpu.memory_space<vmem>>[vector<16xi32>], vector<16xf32>,
        %parallel_loop3A_303 = arith.constant 16 : i32
        %parallel_loop3A_304 = arith.muli %parallel_loop3A_225, %parallel_loop3A_303 : i32
        %parallel_loop3A_305 = arith.constant 0 : i32
        %parallel_loop3A_306 = arith.constant 5 : i32
        %parallel_loop3A_307 = arith.index_cast %parallel_loop3A_305 : i32 to index
        %parallel_loop3A_308 = arith.index_cast %parallel_loop3A_306 : i32 to index
        %parallel_loop3A_309 = arith.index_cast %parallel_loop3A_304 : i32 to index
        %parallel_loop3A_310 = tpu.vector_load %arg7[%parallel_loop3A_307, %parallel_loop3A_308, %parallel_loop3A_309] {strides = array<i32>} : memref<2x16x2048xf32, #tpu.memory_space<vmem>>, vector<16xf32>,
        tpu.vector_store %arg7[%parallel_loop3A_307, %parallel_loop3A_308, %parallel_loop3A_309], %parallel_loop3A_302 {strides = array<i32>} : memref<2x16x2048xf32, #tpu.memory_space<vmem>>, vector<16xf32>,
        %parallel_loop3A_311 = arith.constant 3078 : i32
        %parallel_loop3A_312 = vector.broadcast %parallel_loop3A_311 : i32 to vector<16xi32>
        %parallel_loop3A_313 = arith.addi %parallel_loop3A_238, %parallel_loop3A_312 : vector<16xi32>
        %parallel_loop3A_314 = tpu.vector_load_idx %arg5[%parallel_loop3A_313] : memref<8208xf32, #tpu.memory_space<vmem>>[vector<16xi32>], vector<16xf32>,
        %parallel_loop3A_315 = arith.constant 16 : i32
        %parallel_loop3A_316 = arith.muli %parallel_loop3A_225, %parallel_loop3A_315 : i32
        %parallel_loop3A_317 = arith.constant 0 : i32
        %parallel_loop3A_318 = arith.constant 6 : i32
        %parallel_loop3A_319 = arith.index_cast %parallel_loop3A_317 : i32 to index
        %parallel_loop3A_320 = arith.index_cast %parallel_loop3A_318 : i32 to index
        %parallel_loop3A_321 = arith.index_cast %parallel_loop3A_316 : i32 to index
        %parallel_loop3A_322 = tpu.vector_load %arg7[%parallel_loop3A_319, %parallel_loop3A_320, %parallel_loop3A_321] {strides = array<i32>} : memref<2x16x2048xf32, #tpu.memory_space<vmem>>, vector<16xf32>,
        tpu.vector_store %arg7[%parallel_loop3A_319, %parallel_loop3A_320, %parallel_loop3A_321], %parallel_loop3A_314 {strides = array<i32>} : memref<2x16x2048xf32, #tpu.memory_space<vmem>>, vector<16xf32>,
        %parallel_loop3A_323 = arith.constant 3591 : i32
        %parallel_loop3A_324 = vector.broadcast %parallel_loop3A_323 : i32 to vector<16xi32>
        %parallel_loop3A_325 = arith.addi %parallel_loop3A_238, %parallel_loop3A_324 : vector<16xi32>
        %parallel_loop3A_326 = tpu.vector_load_idx %arg5[%parallel_loop3A_325] : memref<8208xf32, #tpu.memory_space<vmem>>[vector<16xi32>], vector<16xf32>,
        %parallel_loop3A_327 = arith.constant 16 : i32
        %parallel_loop3A_328 = arith.muli %parallel_loop3A_225, %parallel_loop3A_327 : i32
        %parallel_loop3A_329 = arith.constant 0 : i32
        %parallel_loop3A_330 = arith.constant 7 : i32
        %parallel_loop3A_331 = arith.index_cast %parallel_loop3A_329 : i32 to index
        %parallel_loop3A_332 = arith.index_cast %parallel_loop3A_330 : i32 to index
        %parallel_loop3A_333 = arith.index_cast %parallel_loop3A_328 : i32 to index
        %parallel_loop3A_334 = tpu.vector_load %arg7[%parallel_loop3A_331, %parallel_loop3A_332, %parallel_loop3A_333] {strides = array<i32>} : memref<2x16x2048xf32, #tpu.memory_space<vmem>>, vector<16xf32>,
        tpu.vector_store %arg7[%parallel_loop3A_331, %parallel_loop3A_332, %parallel_loop3A_333], %parallel_loop3A_326 {strides = array<i32>} : memref<2x16x2048xf32, #tpu.memory_space<vmem>>, vector<16xf32>,
        %parallel_loop3A_335 = arith.constant 4104 : i32
        %parallel_loop3A_336 = vector.broadcast %parallel_loop3A_335 : i32 to vector<16xi32>
        %parallel_loop3A_337 = arith.addi %parallel_loop3A_238, %parallel_loop3A_336 : vector<16xi32>
        %parallel_loop3A_338 = tpu.vector_load_idx %arg5[%parallel_loop3A_337] : memref<8208xf32, #tpu.memory_space<vmem>>[vector<16xi32>], vector<16xf32>,
        %parallel_loop3A_339 = arith.constant 16 : i32
        %parallel_loop3A_340 = arith.muli %parallel_loop3A_225, %parallel_loop3A_339 : i32
        %parallel_loop3A_341 = arith.constant 0 : i32
        %parallel_loop3A_342 = arith.constant 8 : i32
        %parallel_loop3A_343 = arith.index_cast %parallel_loop3A_341 : i32 to index
        %parallel_loop3A_344 = arith.index_cast %parallel_loop3A_342 : i32 to index
        %parallel_loop3A_345 = arith.index_cast %parallel_loop3A_340 : i32 to index
        %parallel_loop3A_346 = tpu.vector_load %arg7[%parallel_loop3A_343, %parallel_loop3A_344, %parallel_loop3A_345] {strides = array<i32>} : memref<2x16x2048xf32, #tpu.memory_space<vmem>>, vector<16xf32>,
        tpu.vector_store %arg7[%parallel_loop3A_343, %parallel_loop3A_344, %parallel_loop3A_345], %parallel_loop3A_338 {strides = array<i32>} : memref<2x16x2048xf32, #tpu.memory_space<vmem>>, vector<16xf32>,
        %parallel_loop3A_347 = arith.constant 4617 : i32
        %parallel_loop3A_348 = vector.broadcast %parallel_loop3A_347 : i32 to vector<16xi32>
        %parallel_loop3A_349 = arith.addi %parallel_loop3A_238, %parallel_loop3A_348 : vector<16xi32>
        %parallel_loop3A_350 = tpu.vector_load_idx %arg5[%parallel_loop3A_349] : memref<8208xf32, #tpu.memory_space<vmem>>[vector<16xi32>], vector<16xf32>,
        %parallel_loop3A_351 = arith.constant 16 : i32
        %parallel_loop3A_352 = arith.muli %parallel_loop3A_225, %parallel_loop3A_351 : i32
        %parallel_loop3A_353 = arith.constant 0 : i32
        %parallel_loop3A_354 = arith.constant 9 : i32
        %parallel_loop3A_355 = arith.index_cast %parallel_loop3A_353 : i32 to index
        %parallel_loop3A_356 = arith.index_cast %parallel_loop3A_354 : i32 to index
        %parallel_loop3A_357 = arith.index_cast %parallel_loop3A_352 : i32 to index
        %parallel_loop3A_358 = tpu.vector_load %arg7[%parallel_loop3A_355, %parallel_loop3A_356, %parallel_loop3A_357] {strides = array<i32>} : memref<2x16x2048xf32, #tpu.memory_space<vmem>>, vector<16xf32>,
        tpu.vector_store %arg7[%parallel_loop3A_355, %parallel_loop3A_356, %parallel_loop3A_357], %parallel_loop3A_350 {strides = array<i32>} : memref<2x16x2048xf32, #tpu.memory_space<vmem>>, vector<16xf32>,
        %parallel_loop3A_359 = arith.constant 5130 : i32
        %parallel_loop3A_360 = vector.broadcast %parallel_loop3A_359 : i32 to vector<16xi32>
        %parallel_loop3A_361 = arith.addi %parallel_loop3A_238, %parallel_loop3A_360 : vector<16xi32>
        %parallel_loop3A_362 = tpu.vector_load_idx %arg5[%parallel_loop3A_361] : memref<8208xf32, #tpu.memory_space<vmem>>[vector<16xi32>], vector<16xf32>,
        %parallel_loop3A_363 = arith.constant 16 : i32
        %parallel_loop3A_364 = arith.muli %parallel_loop3A_225, %parallel_loop3A_363 : i32
        %parallel_loop3A_365 = arith.constant 0 : i32
        %parallel_loop3A_366 = arith.constant 10 : i32
        %parallel_loop3A_367 = arith.index_cast %parallel_loop3A_365 : i32 to index
        %parallel_loop3A_368 = arith.index_cast %parallel_loop3A_366 : i32 to index
        %parallel_loop3A_369 = arith.index_cast %parallel_loop3A_364 : i32 to index
        %parallel_loop3A_370 = tpu.vector_load %arg7[%parallel_loop3A_367, %parallel_loop3A_368, %parallel_loop3A_369] {strides = array<i32>} : memref<2x16x2048xf32, #tpu.memory_space<vmem>>, vector<16xf32>,
        tpu.vector_store %arg7[%parallel_loop3A_367, %parallel_loop3A_368, %parallel_loop3A_369], %parallel_loop3A_362 {strides = array<i32>} : memref<2x16x2048xf32, #tpu.memory_space<vmem>>, vector<16xf32>,
        %parallel_loop3A_371 = arith.constant 5643 : i32
        %parallel_loop3A_372 = vector.broadcast %parallel_loop3A_371 : i32 to vector<16xi32>
        %parallel_loop3A_373 = arith.addi %parallel_loop3A_238, %parallel_loop3A_372 : vector<16xi32>
        %parallel_loop3A_374 = tpu.vector_load_idx %arg5[%parallel_loop3A_373] : memref<8208xf32, #tpu.memory_space<vmem>>[vector<16xi32>], vector<16xf32>,
        %parallel_loop3A_375 = arith.constant 16 : i32
        %parallel_loop3A_376 = arith.muli %parallel_loop3A_225, %parallel_loop3A_375 : i32
        %parallel_loop3A_377 = arith.constant 0 : i32
        %parallel_loop3A_378 = arith.constant 11 : i32
        %parallel_loop3A_379 = arith.index_cast %parallel_loop3A_377 : i32 to index
        %parallel_loop3A_380 = arith.index_cast %parallel_loop3A_378 : i32 to index
        %parallel_loop3A_381 = arith.index_cast %parallel_loop3A_376 : i32 to index
        %parallel_loop3A_382 = tpu.vector_load %arg7[%parallel_loop3A_379, %parallel_loop3A_380, %parallel_loop3A_381] {strides = array<i32>} : memref<2x16x2048xf32, #tpu.memory_space<vmem>>, vector<16xf32>,
        tpu.vector_store %arg7[%parallel_loop3A_379, %parallel_loop3A_380, %parallel_loop3A_381], %parallel_loop3A_374 {strides = array<i32>} : memref<2x16x2048xf32, #tpu.memory_space<vmem>>, vector<16xf32>,
        %parallel_loop3A_383 = arith.constant 6156 : i32
        %parallel_loop3A_384 = vector.broadcast %parallel_loop3A_383 : i32 to vector<16xi32>
        %parallel_loop3A_385 = arith.addi %parallel_loop3A_238, %parallel_loop3A_384 : vector<16xi32>
        %parallel_loop3A_386 = tpu.vector_load_idx %arg5[%parallel_loop3A_385] : memref<8208xf32, #tpu.memory_space<vmem>>[vector<16xi32>], vector<16xf32>,
        %parallel_loop3A_387 = arith.constant 16 : i32
        %parallel_loop3A_388 = arith.muli %parallel_loop3A_225, %parallel_loop3A_387 : i32
        %parallel_loop3A_389 = arith.constant 0 : i32
        %parallel_loop3A_390 = arith.constant 12 : i32
        %parallel_loop3A_391 = arith.index_cast %parallel_loop3A_389 : i32 to index
        %parallel_loop3A_392 = arith.index_cast %parallel_loop3A_390 : i32 to index
        %parallel_loop3A_393 = arith.index_cast %parallel_loop3A_388 : i32 to index
        %parallel_loop3A_394 = tpu.vector_load %arg7[%parallel_loop3A_391, %parallel_loop3A_392, %parallel_loop3A_393] {strides = array<i32>} : memref<2x16x2048xf32, #tpu.memory_space<vmem>>, vector<16xf32>,
        tpu.vector_store %arg7[%parallel_loop3A_391, %parallel_loop3A_392, %parallel_loop3A_393], %parallel_loop3A_386 {strides = array<i32>} : memref<2x16x2048xf32, #tpu.memory_space<vmem>>, vector<16xf32>,
        %parallel_loop3A_395 = arith.constant 6669 : i32
        %parallel_loop3A_396 = vector.broadcast %parallel_loop3A_395 : i32 to vector<16xi32>
        %parallel_loop3A_397 = arith.addi %parallel_loop3A_238, %parallel_loop3A_396 : vector<16xi32>
        %parallel_loop3A_398 = tpu.vector_load_idx %arg5[%parallel_loop3A_397] : memref<8208xf32, #tpu.memory_space<vmem>>[vector<16xi32>], vector<16xf32>,
        %parallel_loop3A_399 = arith.constant 16 : i32
        %parallel_loop3A_400 = arith.muli %parallel_loop3A_225, %parallel_loop3A_399 : i32
        %parallel_loop3A_401 = arith.constant 0 : i32
        %parallel_loop3A_402 = arith.constant 13 : i32
        %parallel_loop3A_403 = arith.index_cast %parallel_loop3A_401 : i32 to index
        %parallel_loop3A_404 = arith.index_cast %parallel_loop3A_402 : i32 to index
        %parallel_loop3A_405 = arith.index_cast %parallel_loop3A_400 : i32 to index
        %parallel_loop3A_406 = tpu.vector_load %arg7[%parallel_loop3A_403, %parallel_loop3A_404, %parallel_loop3A_405] {strides = array<i32>} : memref<2x16x2048xf32, #tpu.memory_space<vmem>>, vector<16xf32>,
        tpu.vector_store %arg7[%parallel_loop3A_403, %parallel_loop3A_404, %parallel_loop3A_405], %parallel_loop3A_398 {strides = array<i32>} : memref<2x16x2048xf32, #tpu.memory_space<vmem>>, vector<16xf32>,
        %parallel_loop3A_407 = arith.constant 7182 : i32
        %parallel_loop3A_408 = vector.broadcast %parallel_loop3A_407 : i32 to vector<16xi32>
        %parallel_loop3A_409 = arith.addi %parallel_loop3A_238, %parallel_loop3A_408 : vector<16xi32>
        %parallel_loop3A_410 = tpu.vector_load_idx %arg5[%parallel_loop3A_409] : memref<8208xf32, #tpu.memory_space<vmem>>[vector<16xi32>], vector<16xf32>,
        %parallel_loop3A_411 = arith.constant 16 : i32
        %parallel_loop3A_412 = arith.muli %parallel_loop3A_225, %parallel_loop3A_411 : i32
        %parallel_loop3A_413 = arith.constant 0 : i32
        %parallel_loop3A_414 = arith.constant 14 : i32
        %parallel_loop3A_415 = arith.index_cast %parallel_loop3A_413 : i32 to index
        %parallel_loop3A_416 = arith.index_cast %parallel_loop3A_414 : i32 to index
        %parallel_loop3A_417 = arith.index_cast %parallel_loop3A_412 : i32 to index
        %parallel_loop3A_418 = tpu.vector_load %arg7[%parallel_loop3A_415, %parallel_loop3A_416, %parallel_loop3A_417] {strides = array<i32>} : memref<2x16x2048xf32, #tpu.memory_space<vmem>>, vector<16xf32>,
        tpu.vector_store %arg7[%parallel_loop3A_415, %parallel_loop3A_416, %parallel_loop3A_417], %parallel_loop3A_410 {strides = array<i32>} : memref<2x16x2048xf32, #tpu.memory_space<vmem>>, vector<16xf32>,
        %parallel_loop3A_419 = arith.constant 7695 : i32
        %parallel_loop3A_420 = vector.broadcast %parallel_loop3A_419 : i32 to vector<16xi32>
        %parallel_loop3A_421 = arith.addi %parallel_loop3A_238, %parallel_loop3A_420 : vector<16xi32>
        %parallel_loop3A_422 = tpu.vector_load_idx %arg5[%parallel_loop3A_421] : memref<8208xf32, #tpu.memory_space<vmem>>[vector<16xi32>], vector<16xf32>,
        %parallel_loop3A_423 = arith.constant 16 : i32
        %parallel_loop3A_424 = arith.muli %parallel_loop3A_225, %parallel_loop3A_423 : i32
        %parallel_loop3A_425 = arith.constant 0 : i32
        %parallel_loop3A_426 = arith.constant 15 : i32
        %parallel_loop3A_427 = arith.index_cast %parallel_loop3A_425 : i32 to index
        %parallel_loop3A_428 = arith.index_cast %parallel_loop3A_426 : i32 to index
        %parallel_loop3A_429 = arith.index_cast %parallel_loop3A_424 : i32 to index
        %parallel_loop3A_430 = tpu.vector_load %arg7[%parallel_loop3A_427, %parallel_loop3A_428, %parallel_loop3A_429] {strides = array<i32>} : memref<2x16x2048xf32, #tpu.memory_space<vmem>>, vector<16xf32>,
        tpu.vector_store %arg7[%parallel_loop3A_427, %parallel_loop3A_428, %parallel_loop3A_429], %parallel_loop3A_422 {strides = array<i32>} : memref<2x16x2048xf32, #tpu.memory_space<vmem>>, vector<16xf32>,
      } {sc.loop_unroll_factor = 4 : i64, sc.parallel_access}
      %dma_start3A_129 = arith.constant 0 : i32
      %dma_start3A_130 = arith.constant 0 : i32
      %dma_start3A_131 = arith.constant 0 : i32
      %dma_start3A_132 = arith.constant 0 : i32
      %dma_start3A_133 = tpu.memref_slice %arg7[%dma_start3A_129, %dma_start3A_131, %dma_start3A_132] : memref<2x16x2048xf32, #tpu.memory_space<vmem>> -> memref<1x16x2048xf32, #tpu.memory_space<vmem>>
      %dma_start3A_134 = tpu.memref_squeeze %dma_start3A_133 : memref<1x16x2048xf32, #tpu.memory_space<vmem>> -> memref<16x2048xf32, #tpu.memory_space<vmem>>
      %dma_start3A_135 = arith.constant 0 : i32
      %dma_start3A_136 = arith.constant 0 : i32
      %dma_start3A_137 = tpu.memref_slice %arg4[%dma_start3A_130, %add3A_110, %dma_start3A_135, %dma_start3A_136] : memref<1x2048x16x2048xf32, #tpu.memory_space<hbm>> -> memref<1x1x16x2048xf32, #tpu.memory_space<hbm>>
      %dma_start3A_138 = tpu.memref_squeeze %dma_start3A_137 : memref<1x1x16x2048xf32, #tpu.memory_space<hbm>> -> memref<16x2048xf32, #tpu.memory_space<hbm>>
      %dma_start3A_139 = arith.constant 0 : i32
      %dma_start3A_140 = arith.constant 0 : i32
      %dma_start3A_141 = tpu.memref_slice %arg4[%dma_start3A_130, %add3A_110, %dma_start3A_139, %dma_start3A_140] : memref<1x2048x16x2048xf32, #tpu.memory_space<hbm>> -> memref<1x1x16x2048xf32, #tpu.memory_space<hbm>>
      %dma_start3A_142 = tpu.memref_squeeze %dma_start3A_141 : memref<1x1x16x2048xf32, #tpu.memory_space<hbm>> -> memref<16x2048xf32, #tpu.memory_space<hbm>>
      %dma_start3A_143 = arith.constant 0 : i32
      %dma_start3A_144 = arith.constant 0 : i32
      %dma_start3A_145 = tpu.memref_slice %arg7[%dma_start3A_129, %dma_start3A_143, %dma_start3A_144] : memref<2x16x2048xf32, #tpu.memory_space<vmem>> -> memref<1x16x2048xf32, #tpu.memory_space<vmem>>
      %dma_start3A_146 = tpu.memref_squeeze %dma_start3A_145 : memref<1x16x2048xf32, #tpu.memory_space<vmem>> -> memref<16x2048xf32, #tpu.memory_space<vmem>>
      tpu.enqueue_dma source(%dma_start3A_146 : memref<16x2048xf32, #tpu.memory_space<vmem>>) target(%dma_start3A_142 : memref<16x2048xf32, #tpu.memory_space<hbm>>) target_semaphore(%arg10 : memref<!tpu.dma_semaphore, #tpu.memory_space<semaphore_mem>>)
      %add3A_147 = arith.constant 2 : i32
      %add3A_148 = arith.addi %add3A_110, %add3A_147 : i32
      %min3A = arith.minsi %add3A_148, %sub3A_5 : i32
      %dma_start3A_149 = arith.constant 0 : i32
      %dma_start3A_150 = arith.constant 0 : i32
      %dma_start3A_151 = arith.constant 0 : i32
      %dma_start3A_152 = tpu.memref_slice %arg6[%dma_start3A_150, %dma_start3A_151] : memref<2x2048xf32, #tpu.memory_space<vmem>> -> memref<1x2048xf32, #tpu.memory_space<vmem>>
      %dma_start3A_153 = tpu.memref_squeeze %dma_start3A_152 : memref<1x2048xf32, #tpu.memory_space<vmem>> -> memref<2048xf32, #tpu.memory_space<vmem>>
      %dma_start3A_154 = arith.constant 0 : i32
      %dma_start3A_155 = tpu.memref_slice %arg2[%dma_start3A_149, %min3A, %dma_start3A_154] : memref<1x2048x2048xf32, #tpu.memory_space<hbm>> -> memref<1x1x2048xf32, #tpu.memory_space<hbm>>
      %dma_start3A_156 = tpu.memref_squeeze %dma_start3A_155 : memref<1x1x2048xf32, #tpu.memory_space<hbm>> -> memref<2048xf32, #tpu.memory_space<hbm>>
      %dma_start3A_157 = arith.constant 0 : i32
      %dma_start3A_158 = tpu.memref_slice %arg6[%dma_start3A_150, %dma_start3A_157] : memref<2x2048xf32, #tpu.memory_space<vmem>> -> memref<1x2048xf32, #tpu.memory_space<vmem>>
      %dma_start3A_159 = tpu.memref_squeeze %dma_start3A_158 : memref<1x2048xf32, #tpu.memory_space<vmem>> -> memref<2048xf32, #tpu.memory_space<vmem>>
      %dma_start3A_160 = arith.constant 0 : i32
      %dma_start3A_161 = tpu.memref_slice %arg2[%dma_start3A_149, %min3A, %dma_start3A_160] : memref<1x2048x2048xf32, #tpu.memory_space<hbm>> -> memref<1x1x2048xf32, #tpu.memory_space<hbm>>
      %dma_start3A_162 = tpu.memref_squeeze %dma_start3A_161 : memref<1x1x2048xf32, #tpu.memory_space<hbm>> -> memref<2048xf32, #tpu.memory_space<hbm>>
      tpu.enqueue_dma source(%dma_start3A_162 : memref<2048xf32, #tpu.memory_space<hbm>>) target(%dma_start3A_159 : memref<2048xf32, #tpu.memory_space<vmem>>) target_semaphore(%arg8 : memref<!tpu.dma_semaphore, #tpu.memory_space<semaphore_mem>>)
      %mul3A_163 = arith.constant 2 : i32
      %mul3A_164 = arith.muli %mul3A_163, %scan3A_105 : i32
      %add3A_165 = arith.addi %mul3A_2, %mul3A_164 : i32
      %add3A_166 = arith.constant 1 : i32
      %add3A_167 = arith.addi %add3A_165, %add3A_166 : i32
      %dma_wait3A_168 = arith.constant 0 : i32
      %dma_wait3A_169 = arith.constant 1 : i32
      %dma_wait3A_170 = arith.constant 0 : i32
      %dma_wait3A_171 = tpu.memref_slice %arg6[%dma_wait3A_169, %dma_wait3A_170] : memref<2x2048xf32, #tpu.memory_space<vmem>> -> memref<1x2048xf32, #tpu.memory_space<vmem>>
      %dma_wait3A_172 = tpu.memref_squeeze %dma_wait3A_171 : memref<1x2048xf32, #tpu.memory_space<vmem>> -> memref<2048xf32, #tpu.memory_space<vmem>>
      %dma_wait3A_173 = arith.constant 0 : i32
      %dma_wait3A_174 = tpu.memref_slice %arg2[%dma_wait3A_168, %add3A_167, %dma_wait3A_173] : memref<1x2048x2048xf32, #tpu.memory_space<hbm>> -> memref<1x1x2048xf32, #tpu.memory_space<hbm>>
      %dma_wait3A_175 = tpu.memref_squeeze %dma_wait3A_174 : memref<1x1x2048xf32, #tpu.memory_space<hbm>> -> memref<2048xf32, #tpu.memory_space<hbm>>
      %dma_wait3A_176 = arith.constant 0 : i32
      %dma_wait3A_177 = tpu.memref_slice %arg6[%dma_wait3A_169, %dma_wait3A_176] : memref<2x2048xf32, #tpu.memory_space<vmem>> -> memref<1x2048xf32, #tpu.memory_space<vmem>>
      %dma_wait3A_178 = tpu.memref_squeeze %dma_wait3A_177 : memref<1x2048xf32, #tpu.memory_space<vmem>> -> memref<2048xf32, #tpu.memory_space<vmem>>
      %dma_wait3A_179 = arith.constant 0 : i32
      %dma_wait3A_180 = tpu.memref_slice %arg2[%dma_wait3A_168, %add3A_167, %dma_wait3A_179] : memref<1x2048x2048xf32, #tpu.memory_space<hbm>> -> memref<1x1x2048xf32, #tpu.memory_space<hbm>>
      %dma_wait3A_181 = tpu.memref_squeeze %dma_wait3A_180 : memref<1x1x2048xf32, #tpu.memory_space<hbm>> -> memref<2048xf32, #tpu.memory_space<hbm>>
      tpu.wait_dma2 semaphore(%arg9 : memref<!tpu.dma_semaphore, #tpu.memory_space<semaphore_mem>>) src(%dma_wait3A_181 : memref<2048xf32, #tpu.memory_space<hbm>>) dst(%dma_wait3A_178 : memref<2048xf32, #tpu.memory_space<vmem>>)
      %gt3A_182 = arith.constant 0 : i32
      %gt3A_183 = arith.cmpi sgt, %scan3A_105, %gt3A_182 : i32
      %convert_element_type3A_184 = arith.extui %gt3A_183 : i1 to i32
      %cond3A_185 = arith.constant 0 : i32
      %cond3A_186 = arith.cmpi ne, %convert_element_type3A_184, %cond3A_185 : i32
      scf.if %cond3A_186 {
        %sub3A_225 = arith.constant 2 : i32
        %sub3A_226 = arith.subi %add3A_167, %sub3A_225 : i32
        %dma_wait3A_227 = arith.constant 1 : i32
        %dma_wait3A_228 = arith.constant 0 : i32
        %dma_wait3A_229 = arith.constant 0 : i32
        %dma_wait3A_230 = arith.constant 0 : i32
        %dma_wait3A_231 = tpu.memref_slice %arg7[%dma_wait3A_227, %dma_wait3A_229, %dma_wait3A_230] : memref<2x16x2048xf32, #tpu.memory_space<vmem>> -> memref<1x16x2048xf32, #tpu.memory_space<vmem>>
        %dma_wait3A_232 = tpu.memref_squeeze %dma_wait3A_231 : memref<1x16x2048xf32, #tpu.memory_space<vmem>> -> memref<16x2048xf32, #tpu.memory_space<vmem>>
        %dma_wait3A_233 = arith.constant 0 : i32
        %dma_wait3A_234 = arith.constant 0 : i32
        %dma_wait3A_235 = tpu.memref_slice %arg4[%dma_wait3A_228, %sub3A_226, %dma_wait3A_233, %dma_wait3A_234] : memref<1x2048x16x2048xf32, #tpu.memory_space<hbm>> -> memref<1x1x16x2048xf32, #tpu.memory_space<hbm>>
        %dma_wait3A_236 = tpu.memref_squeeze %dma_wait3A_235 : memref<1x1x16x2048xf32, #tpu.memory_space<hbm>> -> memref<16x2048xf32, #tpu.memory_space<hbm>>
        %dma_wait3A_237 = arith.constant 0 : i32
        %dma_wait3A_238 = arith.constant 0 : i32
        %dma_wait3A_239 = tpu.memref_slice %arg4[%dma_wait3A_228, %sub3A_226, %dma_wait3A_237, %dma_wait3A_238] : memref<1x2048x16x2048xf32, #tpu.memory_space<hbm>> -> memref<1x1x16x2048xf32, #tpu.memory_space<hbm>>
        %dma_wait3A_240 = tpu.memref_squeeze %dma_wait3A_239 : memref<1x1x16x2048xf32, #tpu.memory_space<hbm>> -> memref<16x2048xf32, #tpu.memory_space<hbm>>
        %dma_wait3A_241 = arith.constant 0 : i32
        %dma_wait3A_242 = arith.constant 0 : i32
        %dma_wait3A_243 = tpu.memref_slice %arg7[%dma_wait3A_227, %dma_wait3A_241, %dma_wait3A_242] : memref<2x16x2048xf32, #tpu.memory_space<vmem>> -> memref<1x16x2048xf32, #tpu.memory_space<vmem>>
        %dma_wait3A_244 = tpu.memref_squeeze %dma_wait3A_243 : memref<1x16x2048xf32, #tpu.memory_space<vmem>> -> memref<16x2048xf32, #tpu.memory_space<vmem>>
        tpu.wait_dma2 semaphore(%arg11 : memref<!tpu.dma_semaphore, #tpu.memory_space<semaphore_mem>>) src(%dma_wait3A_244 : memref<16x2048xf32, #tpu.memory_space<vmem>>) dst(%dma_wait3A_240 : memref<16x2048xf32, #tpu.memory_space<hbm>>)
      } else {
      }
      %parallel_loop3A_187 = arith.constant 0 : i32
      %parallel_loop3A_188 = arith.constant 128 : i32
      %parallel_loop3A_189 = arith.constant 1 : i32
      scf.for %parallel_loop3A_225 = %parallel_loop3A_187 to %parallel_loop3A_188 step %parallel_loop3A_189  : i32 {
        %parallel_loop3A_226 = arith.constant 16 : i32
        %parallel_loop3A_227 = arith.muli %parallel_loop3A_225, %parallel_loop3A_226 : i32
        %parallel_loop3A_228 = arith.constant 1 : i32
        %parallel_loop3A_229 = arith.index_cast %parallel_loop3A_228 : i32 to index
        %parallel_loop3A_230 = arith.index_cast %parallel_loop3A_227 : i32 to index
        %parallel_loop3A_231 = tpu.vector_load %arg6[%parallel_loop3A_229, %parallel_loop3A_230] {strides = array<i32>} : memref<2x2048xf32, #tpu.memory_space<vmem>>, vector<16xf32>,
        %parallel_loop3A_232 = arith.constant 1.000000e+00 : f32
        %parallel_loop3A_233 = vector.broadcast %parallel_loop3A_232 : f32 to vector<16xf32>
        %parallel_loop3A_234 = arith.minimumf %parallel_loop3A_231, %parallel_loop3A_233 : vector<16xf32>
        %parallel_loop3A_235 = arith.constant 5.120000e+02 : f32
        %parallel_loop3A_236 = vector.broadcast %parallel_loop3A_235 : f32 to vector<16xf32>
        %parallel_loop3A_237 = arith.mulf %parallel_loop3A_234, %parallel_loop3A_236 : vector<16xf32>
        %parallel_loop3A_238 = arith.fptosi %parallel_loop3A_237 : vector<16xf32> to vector<16xi32>
        %parallel_loop3A_239 = arith.constant 0 : i32
        %parallel_loop3A_240 = vector.broadcast %parallel_loop3A_239 : i32 to vector<16xi32>
        %parallel_loop3A_241 = arith.addi %parallel_loop3A_238, %parallel_loop3A_240 : vector<16xi32>
        %parallel_loop3A_242 = tpu.vector_load_idx %arg5[%parallel_loop3A_241] : memref<8208xf32, #tpu.memory_space<vmem>>[vector<16xi32>], vector<16xf32>,
        %parallel_loop3A_243 = arith.constant 16 : i32
        %parallel_loop3A_244 = arith.muli %parallel_loop3A_225, %parallel_loop3A_243 : i32
        %parallel_loop3A_245 = arith.constant 1 : i32
        %parallel_loop3A_246 = arith.constant 0 : i32
        %parallel_loop3A_247 = arith.index_cast %parallel_loop3A_245 : i32 to index
        %parallel_loop3A_248 = arith.index_cast %parallel_loop3A_246 : i32 to index
        %parallel_loop3A_249 = arith.index_cast %parallel_loop3A_244 : i32 to index
        %parallel_loop3A_250 = tpu.vector_load %arg7[%parallel_loop3A_247, %parallel_loop3A_248, %parallel_loop3A_249] {strides = array<i32>} : memref<2x16x2048xf32, #tpu.memory_space<vmem>>, vector<16xf32>,
        tpu.vector_store %arg7[%parallel_loop3A_247, %parallel_loop3A_248, %parallel_loop3A_249], %parallel_loop3A_242 {strides = array<i32>} : memref<2x16x2048xf32, #tpu.memory_space<vmem>>, vector<16xf32>,
        %parallel_loop3A_251 = arith.constant 513 : i32
        %parallel_loop3A_252 = vector.broadcast %parallel_loop3A_251 : i32 to vector<16xi32>
        %parallel_loop3A_253 = arith.addi %parallel_loop3A_238, %parallel_loop3A_252 : vector<16xi32>
        %parallel_loop3A_254 = tpu.vector_load_idx %arg5[%parallel_loop3A_253] : memref<8208xf32, #tpu.memory_space<vmem>>[vector<16xi32>], vector<16xf32>,
        %parallel_loop3A_255 = arith.constant 16 : i32
        %parallel_loop3A_256 = arith.muli %parallel_loop3A_225, %parallel_loop3A_255 : i32
        %parallel_loop3A_257 = arith.constant 1 : i32
        %parallel_loop3A_258 = arith.constant 1 : i32
        %parallel_loop3A_259 = arith.index_cast %parallel_loop3A_257 : i32 to index
        %parallel_loop3A_260 = arith.index_cast %parallel_loop3A_258 : i32 to index
        %parallel_loop3A_261 = arith.index_cast %parallel_loop3A_256 : i32 to index
        %parallel_loop3A_262 = tpu.vector_load %arg7[%parallel_loop3A_259, %parallel_loop3A_260, %parallel_loop3A_261] {strides = array<i32>} : memref<2x16x2048xf32, #tpu.memory_space<vmem>>, vector<16xf32>,
        tpu.vector_store %arg7[%parallel_loop3A_259, %parallel_loop3A_260, %parallel_loop3A_261], %parallel_loop3A_254 {strides = array<i32>} : memref<2x16x2048xf32, #tpu.memory_space<vmem>>, vector<16xf32>,
        %parallel_loop3A_263 = arith.constant 1026 : i32
        %parallel_loop3A_264 = vector.broadcast %parallel_loop3A_263 : i32 to vector<16xi32>
        %parallel_loop3A_265 = arith.addi %parallel_loop3A_238, %parallel_loop3A_264 : vector<16xi32>
        %parallel_loop3A_266 = tpu.vector_load_idx %arg5[%parallel_loop3A_265] : memref<8208xf32, #tpu.memory_space<vmem>>[vector<16xi32>], vector<16xf32>,
        %parallel_loop3A_267 = arith.constant 16 : i32
        %parallel_loop3A_268 = arith.muli %parallel_loop3A_225, %parallel_loop3A_267 : i32
        %parallel_loop3A_269 = arith.constant 1 : i32
        %parallel_loop3A_270 = arith.constant 2 : i32
        %parallel_loop3A_271 = arith.index_cast %parallel_loop3A_269 : i32 to index
        %parallel_loop3A_272 = arith.index_cast %parallel_loop3A_270 : i32 to index
        %parallel_loop3A_273 = arith.index_cast %parallel_loop3A_268 : i32 to index
        %parallel_loop3A_274 = tpu.vector_load %arg7[%parallel_loop3A_271, %parallel_loop3A_272, %parallel_loop3A_273] {strides = array<i32>} : memref<2x16x2048xf32, #tpu.memory_space<vmem>>, vector<16xf32>,
        tpu.vector_store %arg7[%parallel_loop3A_271, %parallel_loop3A_272, %parallel_loop3A_273], %parallel_loop3A_266 {strides = array<i32>} : memref<2x16x2048xf32, #tpu.memory_space<vmem>>, vector<16xf32>,
        %parallel_loop3A_275 = arith.constant 1539 : i32
        %parallel_loop3A_276 = vector.broadcast %parallel_loop3A_275 : i32 to vector<16xi32>
        %parallel_loop3A_277 = arith.addi %parallel_loop3A_238, %parallel_loop3A_276 : vector<16xi32>
        %parallel_loop3A_278 = tpu.vector_load_idx %arg5[%parallel_loop3A_277] : memref<8208xf32, #tpu.memory_space<vmem>>[vector<16xi32>], vector<16xf32>,
        %parallel_loop3A_279 = arith.constant 16 : i32
        %parallel_loop3A_280 = arith.muli %parallel_loop3A_225, %parallel_loop3A_279 : i32
        %parallel_loop3A_281 = arith.constant 1 : i32
        %parallel_loop3A_282 = arith.constant 3 : i32
        %parallel_loop3A_283 = arith.index_cast %parallel_loop3A_281 : i32 to index
        %parallel_loop3A_284 = arith.index_cast %parallel_loop3A_282 : i32 to index
        %parallel_loop3A_285 = arith.index_cast %parallel_loop3A_280 : i32 to index
        %parallel_loop3A_286 = tpu.vector_load %arg7[%parallel_loop3A_283, %parallel_loop3A_284, %parallel_loop3A_285] {strides = array<i32>} : memref<2x16x2048xf32, #tpu.memory_space<vmem>>, vector<16xf32>,
        tpu.vector_store %arg7[%parallel_loop3A_283, %parallel_loop3A_284, %parallel_loop3A_285], %parallel_loop3A_278 {strides = array<i32>} : memref<2x16x2048xf32, #tpu.memory_space<vmem>>, vector<16xf32>,
        %parallel_loop3A_287 = arith.constant 2052 : i32
        %parallel_loop3A_288 = vector.broadcast %parallel_loop3A_287 : i32 to vector<16xi32>
        %parallel_loop3A_289 = arith.addi %parallel_loop3A_238, %parallel_loop3A_288 : vector<16xi32>
        %parallel_loop3A_290 = tpu.vector_load_idx %arg5[%parallel_loop3A_289] : memref<8208xf32, #tpu.memory_space<vmem>>[vector<16xi32>], vector<16xf32>,
        %parallel_loop3A_291 = arith.constant 16 : i32
        %parallel_loop3A_292 = arith.muli %parallel_loop3A_225, %parallel_loop3A_291 : i32
        %parallel_loop3A_293 = arith.constant 1 : i32
        %parallel_loop3A_294 = arith.constant 4 : i32
        %parallel_loop3A_295 = arith.index_cast %parallel_loop3A_293 : i32 to index
        %parallel_loop3A_296 = arith.index_cast %parallel_loop3A_294 : i32 to index
        %parallel_loop3A_297 = arith.index_cast %parallel_loop3A_292 : i32 to index
        %parallel_loop3A_298 = tpu.vector_load %arg7[%parallel_loop3A_295, %parallel_loop3A_296, %parallel_loop3A_297] {strides = array<i32>} : memref<2x16x2048xf32, #tpu.memory_space<vmem>>, vector<16xf32>,
        tpu.vector_store %arg7[%parallel_loop3A_295, %parallel_loop3A_296, %parallel_loop3A_297], %parallel_loop3A_290 {strides = array<i32>} : memref<2x16x2048xf32, #tpu.memory_space<vmem>>, vector<16xf32>,
        %parallel_loop3A_299 = arith.constant 2565 : i32
        %parallel_loop3A_300 = vector.broadcast %parallel_loop3A_299 : i32 to vector<16xi32>
        %parallel_loop3A_301 = arith.addi %parallel_loop3A_238, %parallel_loop3A_300 : vector<16xi32>
        %parallel_loop3A_302 = tpu.vector_load_idx %arg5[%parallel_loop3A_301] : memref<8208xf32, #tpu.memory_space<vmem>>[vector<16xi32>], vector<16xf32>,
        %parallel_loop3A_303 = arith.constant 16 : i32
        %parallel_loop3A_304 = arith.muli %parallel_loop3A_225, %parallel_loop3A_303 : i32
        %parallel_loop3A_305 = arith.constant 1 : i32
        %parallel_loop3A_306 = arith.constant 5 : i32
        %parallel_loop3A_307 = arith.index_cast %parallel_loop3A_305 : i32 to index
        %parallel_loop3A_308 = arith.index_cast %parallel_loop3A_306 : i32 to index
        %parallel_loop3A_309 = arith.index_cast %parallel_loop3A_304 : i32 to index
        %parallel_loop3A_310 = tpu.vector_load %arg7[%parallel_loop3A_307, %parallel_loop3A_308, %parallel_loop3A_309] {strides = array<i32>} : memref<2x16x2048xf32, #tpu.memory_space<vmem>>, vector<16xf32>,
        tpu.vector_store %arg7[%parallel_loop3A_307, %parallel_loop3A_308, %parallel_loop3A_309], %parallel_loop3A_302 {strides = array<i32>} : memref<2x16x2048xf32, #tpu.memory_space<vmem>>, vector<16xf32>,
        %parallel_loop3A_311 = arith.constant 3078 : i32
        %parallel_loop3A_312 = vector.broadcast %parallel_loop3A_311 : i32 to vector<16xi32>
        %parallel_loop3A_313 = arith.addi %parallel_loop3A_238, %parallel_loop3A_312 : vector<16xi32>
        %parallel_loop3A_314 = tpu.vector_load_idx %arg5[%parallel_loop3A_313] : memref<8208xf32, #tpu.memory_space<vmem>>[vector<16xi32>], vector<16xf32>,
        %parallel_loop3A_315 = arith.constant 16 : i32
        %parallel_loop3A_316 = arith.muli %parallel_loop3A_225, %parallel_loop3A_315 : i32
        %parallel_loop3A_317 = arith.constant 1 : i32
        %parallel_loop3A_318 = arith.constant 6 : i32
        %parallel_loop3A_319 = arith.index_cast %parallel_loop3A_317 : i32 to index
        %parallel_loop3A_320 = arith.index_cast %parallel_loop3A_318 : i32 to index
        %parallel_loop3A_321 = arith.index_cast %parallel_loop3A_316 : i32 to index
        %parallel_loop3A_322 = tpu.vector_load %arg7[%parallel_loop3A_319, %parallel_loop3A_320, %parallel_loop3A_321] {strides = array<i32>} : memref<2x16x2048xf32, #tpu.memory_space<vmem>>, vector<16xf32>,
        tpu.vector_store %arg7[%parallel_loop3A_319, %parallel_loop3A_320, %parallel_loop3A_321], %parallel_loop3A_314 {strides = array<i32>} : memref<2x16x2048xf32, #tpu.memory_space<vmem>>, vector<16xf32>,
        %parallel_loop3A_323 = arith.constant 3591 : i32
        %parallel_loop3A_324 = vector.broadcast %parallel_loop3A_323 : i32 to vector<16xi32>
        %parallel_loop3A_325 = arith.addi %parallel_loop3A_238, %parallel_loop3A_324 : vector<16xi32>
        %parallel_loop3A_326 = tpu.vector_load_idx %arg5[%parallel_loop3A_325] : memref<8208xf32, #tpu.memory_space<vmem>>[vector<16xi32>], vector<16xf32>,
        %parallel_loop3A_327 = arith.constant 16 : i32
        %parallel_loop3A_328 = arith.muli %parallel_loop3A_225, %parallel_loop3A_327 : i32
        %parallel_loop3A_329 = arith.constant 1 : i32
        %parallel_loop3A_330 = arith.constant 7 : i32
        %parallel_loop3A_331 = arith.index_cast %parallel_loop3A_329 : i32 to index
        %parallel_loop3A_332 = arith.index_cast %parallel_loop3A_330 : i32 to index
        %parallel_loop3A_333 = arith.index_cast %parallel_loop3A_328 : i32 to index
        %parallel_loop3A_334 = tpu.vector_load %arg7[%parallel_loop3A_331, %parallel_loop3A_332, %parallel_loop3A_333] {strides = array<i32>} : memref<2x16x2048xf32, #tpu.memory_space<vmem>>, vector<16xf32>,
        tpu.vector_store %arg7[%parallel_loop3A_331, %parallel_loop3A_332, %parallel_loop3A_333], %parallel_loop3A_326 {strides = array<i32>} : memref<2x16x2048xf32, #tpu.memory_space<vmem>>, vector<16xf32>,
        %parallel_loop3A_335 = arith.constant 4104 : i32
        %parallel_loop3A_336 = vector.broadcast %parallel_loop3A_335 : i32 to vector<16xi32>
        %parallel_loop3A_337 = arith.addi %parallel_loop3A_238, %parallel_loop3A_336 : vector<16xi32>
        %parallel_loop3A_338 = tpu.vector_load_idx %arg5[%parallel_loop3A_337] : memref<8208xf32, #tpu.memory_space<vmem>>[vector<16xi32>], vector<16xf32>,
        %parallel_loop3A_339 = arith.constant 16 : i32
        %parallel_loop3A_340 = arith.muli %parallel_loop3A_225, %parallel_loop3A_339 : i32
        %parallel_loop3A_341 = arith.constant 1 : i32
        %parallel_loop3A_342 = arith.constant 8 : i32
        %parallel_loop3A_343 = arith.index_cast %parallel_loop3A_341 : i32 to index
        %parallel_loop3A_344 = arith.index_cast %parallel_loop3A_342 : i32 to index
        %parallel_loop3A_345 = arith.index_cast %parallel_loop3A_340 : i32 to index
        %parallel_loop3A_346 = tpu.vector_load %arg7[%parallel_loop3A_343, %parallel_loop3A_344, %parallel_loop3A_345] {strides = array<i32>} : memref<2x16x2048xf32, #tpu.memory_space<vmem>>, vector<16xf32>,
        tpu.vector_store %arg7[%parallel_loop3A_343, %parallel_loop3A_344, %parallel_loop3A_345], %parallel_loop3A_338 {strides = array<i32>} : memref<2x16x2048xf32, #tpu.memory_space<vmem>>, vector<16xf32>,
        %parallel_loop3A_347 = arith.constant 4617 : i32
        %parallel_loop3A_348 = vector.broadcast %parallel_loop3A_347 : i32 to vector<16xi32>
        %parallel_loop3A_349 = arith.addi %parallel_loop3A_238, %parallel_loop3A_348 : vector<16xi32>
        %parallel_loop3A_350 = tpu.vector_load_idx %arg5[%parallel_loop3A_349] : memref<8208xf32, #tpu.memory_space<vmem>>[vector<16xi32>], vector<16xf32>,
        %parallel_loop3A_351 = arith.constant 16 : i32
        %parallel_loop3A_352 = arith.muli %parallel_loop3A_225, %parallel_loop3A_351 : i32
        %parallel_loop3A_353 = arith.constant 1 : i32
        %parallel_loop3A_354 = arith.constant 9 : i32
        %parallel_loop3A_355 = arith.index_cast %parallel_loop3A_353 : i32 to index
        %parallel_loop3A_356 = arith.index_cast %parallel_loop3A_354 : i32 to index
        %parallel_loop3A_357 = arith.index_cast %parallel_loop3A_352 : i32 to index
        %parallel_loop3A_358 = tpu.vector_load %arg7[%parallel_loop3A_355, %parallel_loop3A_356, %parallel_loop3A_357] {strides = array<i32>} : memref<2x16x2048xf32, #tpu.memory_space<vmem>>, vector<16xf32>,
        tpu.vector_store %arg7[%parallel_loop3A_355, %parallel_loop3A_356, %parallel_loop3A_357], %parallel_loop3A_350 {strides = array<i32>} : memref<2x16x2048xf32, #tpu.memory_space<vmem>>, vector<16xf32>,
        %parallel_loop3A_359 = arith.constant 5130 : i32
        %parallel_loop3A_360 = vector.broadcast %parallel_loop3A_359 : i32 to vector<16xi32>
        %parallel_loop3A_361 = arith.addi %parallel_loop3A_238, %parallel_loop3A_360 : vector<16xi32>
        %parallel_loop3A_362 = tpu.vector_load_idx %arg5[%parallel_loop3A_361] : memref<8208xf32, #tpu.memory_space<vmem>>[vector<16xi32>], vector<16xf32>,
        %parallel_loop3A_363 = arith.constant 16 : i32
        %parallel_loop3A_364 = arith.muli %parallel_loop3A_225, %parallel_loop3A_363 : i32
        %parallel_loop3A_365 = arith.constant 1 : i32
        %parallel_loop3A_366 = arith.constant 10 : i32
        %parallel_loop3A_367 = arith.index_cast %parallel_loop3A_365 : i32 to index
        %parallel_loop3A_368 = arith.index_cast %parallel_loop3A_366 : i32 to index
        %parallel_loop3A_369 = arith.index_cast %parallel_loop3A_364 : i32 to index
        %parallel_loop3A_370 = tpu.vector_load %arg7[%parallel_loop3A_367, %parallel_loop3A_368, %parallel_loop3A_369] {strides = array<i32>} : memref<2x16x2048xf32, #tpu.memory_space<vmem>>, vector<16xf32>,
        tpu.vector_store %arg7[%parallel_loop3A_367, %parallel_loop3A_368, %parallel_loop3A_369], %parallel_loop3A_362 {strides = array<i32>} : memref<2x16x2048xf32, #tpu.memory_space<vmem>>, vector<16xf32>,
        %parallel_loop3A_371 = arith.constant 5643 : i32
        %parallel_loop3A_372 = vector.broadcast %parallel_loop3A_371 : i32 to vector<16xi32>
        %parallel_loop3A_373 = arith.addi %parallel_loop3A_238, %parallel_loop3A_372 : vector<16xi32>
        %parallel_loop3A_374 = tpu.vector_load_idx %arg5[%parallel_loop3A_373] : memref<8208xf32, #tpu.memory_space<vmem>>[vector<16xi32>], vector<16xf32>,
        %parallel_loop3A_375 = arith.constant 16 : i32
        %parallel_loop3A_376 = arith.muli %parallel_loop3A_225, %parallel_loop3A_375 : i32
        %parallel_loop3A_377 = arith.constant 1 : i32
        %parallel_loop3A_378 = arith.constant 11 : i32
        %parallel_loop3A_379 = arith.index_cast %parallel_loop3A_377 : i32 to index
        %parallel_loop3A_380 = arith.index_cast %parallel_loop3A_378 : i32 to index
        %parallel_loop3A_381 = arith.index_cast %parallel_loop3A_376 : i32 to index
        %parallel_loop3A_382 = tpu.vector_load %arg7[%parallel_loop3A_379, %parallel_loop3A_380, %parallel_loop3A_381] {strides = array<i32>} : memref<2x16x2048xf32, #tpu.memory_space<vmem>>, vector<16xf32>,
        tpu.vector_store %arg7[%parallel_loop3A_379, %parallel_loop3A_380, %parallel_loop3A_381], %parallel_loop3A_374 {strides = array<i32>} : memref<2x16x2048xf32, #tpu.memory_space<vmem>>, vector<16xf32>,
        %parallel_loop3A_383 = arith.constant 6156 : i32
        %parallel_loop3A_384 = vector.broadcast %parallel_loop3A_383 : i32 to vector<16xi32>
        %parallel_loop3A_385 = arith.addi %parallel_loop3A_238, %parallel_loop3A_384 : vector<16xi32>
        %parallel_loop3A_386 = tpu.vector_load_idx %arg5[%parallel_loop3A_385] : memref<8208xf32, #tpu.memory_space<vmem>>[vector<16xi32>], vector<16xf32>,
        %parallel_loop3A_387 = arith.constant 16 : i32
        %parallel_loop3A_388 = arith.muli %parallel_loop3A_225, %parallel_loop3A_387 : i32
        %parallel_loop3A_389 = arith.constant 1 : i32
        %parallel_loop3A_390 = arith.constant 12 : i32
        %parallel_loop3A_391 = arith.index_cast %parallel_loop3A_389 : i32 to index
        %parallel_loop3A_392 = arith.index_cast %parallel_loop3A_390 : i32 to index
        %parallel_loop3A_393 = arith.index_cast %parallel_loop3A_388 : i32 to index
        %parallel_loop3A_394 = tpu.vector_load %arg7[%parallel_loop3A_391, %parallel_loop3A_392, %parallel_loop3A_393] {strides = array<i32>} : memref<2x16x2048xf32, #tpu.memory_space<vmem>>, vector<16xf32>,
        tpu.vector_store %arg7[%parallel_loop3A_391, %parallel_loop3A_392, %parallel_loop3A_393], %parallel_loop3A_386 {strides = array<i32>} : memref<2x16x2048xf32, #tpu.memory_space<vmem>>, vector<16xf32>,
        %parallel_loop3A_395 = arith.constant 6669 : i32
        %parallel_loop3A_396 = vector.broadcast %parallel_loop3A_395 : i32 to vector<16xi32>
        %parallel_loop3A_397 = arith.addi %parallel_loop3A_238, %parallel_loop3A_396 : vector<16xi32>
        %parallel_loop3A_398 = tpu.vector_load_idx %arg5[%parallel_loop3A_397] : memref<8208xf32, #tpu.memory_space<vmem>>[vector<16xi32>], vector<16xf32>,
        %parallel_loop3A_399 = arith.constant 16 : i32
        %parallel_loop3A_400 = arith.muli %parallel_loop3A_225, %parallel_loop3A_399 : i32
        %parallel_loop3A_401 = arith.constant 1 : i32
        %parallel_loop3A_402 = arith.constant 13 : i32
        %parallel_loop3A_403 = arith.index_cast %parallel_loop3A_401 : i32 to index
        %parallel_loop3A_404 = arith.index_cast %parallel_loop3A_402 : i32 to index
        %parallel_loop3A_405 = arith.index_cast %parallel_loop3A_400 : i32 to index
        %parallel_loop3A_406 = tpu.vector_load %arg7[%parallel_loop3A_403, %parallel_loop3A_404, %parallel_loop3A_405] {strides = array<i32>} : memref<2x16x2048xf32, #tpu.memory_space<vmem>>, vector<16xf32>,
        tpu.vector_store %arg7[%parallel_loop3A_403, %parallel_loop3A_404, %parallel_loop3A_405], %parallel_loop3A_398 {strides = array<i32>} : memref<2x16x2048xf32, #tpu.memory_space<vmem>>, vector<16xf32>,
        %parallel_loop3A_407 = arith.constant 7182 : i32
        %parallel_loop3A_408 = vector.broadcast %parallel_loop3A_407 : i32 to vector<16xi32>
        %parallel_loop3A_409 = arith.addi %parallel_loop3A_238, %parallel_loop3A_408 : vector<16xi32>
        %parallel_loop3A_410 = tpu.vector_load_idx %arg5[%parallel_loop3A_409] : memref<8208xf32, #tpu.memory_space<vmem>>[vector<16xi32>], vector<16xf32>,
        %parallel_loop3A_411 = arith.constant 16 : i32
        %parallel_loop3A_412 = arith.muli %parallel_loop3A_225, %parallel_loop3A_411 : i32
        %parallel_loop3A_413 = arith.constant 1 : i32
        %parallel_loop3A_414 = arith.constant 14 : i32
        %parallel_loop3A_415 = arith.index_cast %parallel_loop3A_413 : i32 to index
        %parallel_loop3A_416 = arith.index_cast %parallel_loop3A_414 : i32 to index
        %parallel_loop3A_417 = arith.index_cast %parallel_loop3A_412 : i32 to index
        %parallel_loop3A_418 = tpu.vector_load %arg7[%parallel_loop3A_415, %parallel_loop3A_416, %parallel_loop3A_417] {strides = array<i32>} : memref<2x16x2048xf32, #tpu.memory_space<vmem>>, vector<16xf32>,
        tpu.vector_store %arg7[%parallel_loop3A_415, %parallel_loop3A_416, %parallel_loop3A_417], %parallel_loop3A_410 {strides = array<i32>} : memref<2x16x2048xf32, #tpu.memory_space<vmem>>, vector<16xf32>,
        %parallel_loop3A_419 = arith.constant 7695 : i32
        %parallel_loop3A_420 = vector.broadcast %parallel_loop3A_419 : i32 to vector<16xi32>
        %parallel_loop3A_421 = arith.addi %parallel_loop3A_238, %parallel_loop3A_420 : vector<16xi32>
        %parallel_loop3A_422 = tpu.vector_load_idx %arg5[%parallel_loop3A_421] : memref<8208xf32, #tpu.memory_space<vmem>>[vector<16xi32>], vector<16xf32>,
        %parallel_loop3A_423 = arith.constant 16 : i32
        %parallel_loop3A_424 = arith.muli %parallel_loop3A_225, %parallel_loop3A_423 : i32
        %parallel_loop3A_425 = arith.constant 1 : i32
        %parallel_loop3A_426 = arith.constant 15 : i32
        %parallel_loop3A_427 = arith.index_cast %parallel_loop3A_425 : i32 to index
        %parallel_loop3A_428 = arith.index_cast %parallel_loop3A_426 : i32 to index
        %parallel_loop3A_429 = arith.index_cast %parallel_loop3A_424 : i32 to index
        %parallel_loop3A_430 = tpu.vector_load %arg7[%parallel_loop3A_427, %parallel_loop3A_428, %parallel_loop3A_429] {strides = array<i32>} : memref<2x16x2048xf32, #tpu.memory_space<vmem>>, vector<16xf32>,
        tpu.vector_store %arg7[%parallel_loop3A_427, %parallel_loop3A_428, %parallel_loop3A_429], %parallel_loop3A_422 {strides = array<i32>} : memref<2x16x2048xf32, #tpu.memory_space<vmem>>, vector<16xf32>,
      } {sc.loop_unroll_factor = 4 : i64, sc.parallel_access}
      %dma_start3A_190 = arith.constant 1 : i32
      %dma_start3A_191 = arith.constant 0 : i32
      %dma_start3A_192 = arith.constant 0 : i32
      %dma_start3A_193 = arith.constant 0 : i32
      %dma_start3A_194 = tpu.memref_slice %arg7[%dma_start3A_190, %dma_start3A_192, %dma_start3A_193] : memref<2x16x2048xf32, #tpu.memory_space<vmem>> -> memref<1x16x2048xf32, #tpu.memory_space<vmem>>
      %dma_start3A_195 = tpu.memref_squeeze %dma_start3A_194 : memref<1x16x2048xf32, #tpu.memory_space<vmem>> -> memref<16x2048xf32, #tpu.memory_space<vmem>>
      %dma_start3A_196 = arith.constant 0 : i32
      %dma_start3A_197 = arith.constant 0 : i32
      %dma_start3A_198 = tpu.memref_slice %arg4[%dma_start3A_191, %add3A_167, %dma_start3A_196, %dma_start3A_197] : memref<1x2048x16x2048xf32, #tpu.memory_space<hbm>> -> memref<1x1x16x2048xf32, #tpu.memory_space<hbm>>
      %dma_start3A_199 = tpu.memref_squeeze %dma_start3A_198 : memref<1x1x16x2048xf32, #tpu.memory_space<hbm>> -> memref<16x2048xf32, #tpu.memory_space<hbm>>
      %dma_start3A_200 = arith.constant 0 : i32
      %dma_start3A_201 = arith.constant 0 : i32
      %dma_start3A_202 = tpu.memref_slice %arg4[%dma_start3A_191, %add3A_167, %dma_start3A_200, %dma_start3A_201] : memref<1x2048x16x2048xf32, #tpu.memory_space<hbm>> -> memref<1x1x16x2048xf32, #tpu.memory_space<hbm>>
      %dma_start3A_203 = tpu.memref_squeeze %dma_start3A_202 : memref<1x1x16x2048xf32, #tpu.memory_space<hbm>> -> memref<16x2048xf32, #tpu.memory_space<hbm>>
      %dma_start3A_204 = arith.constant 0 : i32
      %dma_start3A_205 = arith.constant 0 : i32
      %dma_start3A_206 = tpu.memref_slice %arg7[%dma_start3A_190, %dma_start3A_204, %dma_start3A_205] : memref<2x16x2048xf32, #tpu.memory_space<vmem>> -> memref<1x16x2048xf32, #tpu.memory_space<vmem>>
      %dma_start3A_207 = tpu.memref_squeeze %dma_start3A_206 : memref<1x16x2048xf32, #tpu.memory_space<vmem>> -> memref<16x2048xf32, #tpu.memory_space<vmem>>
      tpu.enqueue_dma source(%dma_start3A_207 : memref<16x2048xf32, #tpu.memory_space<vmem>>) target(%dma_start3A_203 : memref<16x2048xf32, #tpu.memory_space<hbm>>) target_semaphore(%arg11 : memref<!tpu.dma_semaphore, #tpu.memory_space<semaphore_mem>>)
      %add3A_208 = arith.constant 2 : i32
      %add3A_209 = arith.addi %add3A_167, %add3A_208 : i32
      %min3A_210 = arith.minsi %add3A_209, %sub3A_5 : i32
      %dma_start3A_211 = arith.constant 0 : i32
      %dma_start3A_212 = arith.constant 1 : i32
      %dma_start3A_213 = arith.constant 0 : i32
      %dma_start3A_214 = tpu.memref_slice %arg6[%dma_start3A_212, %dma_start3A_213] : memref<2x2048xf32, #tpu.memory_space<vmem>> -> memref<1x2048xf32, #tpu.memory_space<vmem>>
      %dma_start3A_215 = tpu.memref_squeeze %dma_start3A_214 : memref<1x2048xf32, #tpu.memory_space<vmem>> -> memref<2048xf32, #tpu.memory_space<vmem>>
      %dma_start3A_216 = arith.constant 0 : i32
      %dma_start3A_217 = tpu.memref_slice %arg2[%dma_start3A_211, %min3A_210, %dma_start3A_216] : memref<1x2048x2048xf32, #tpu.memory_space<hbm>> -> memref<1x1x2048xf32, #tpu.memory_space<hbm>>
      %dma_start3A_218 = tpu.memref_squeeze %dma_start3A_217 : memref<1x1x2048xf32, #tpu.memory_space<hbm>> -> memref<2048xf32, #tpu.memory_space<hbm>>
      %dma_start3A_219 = arith.constant 0 : i32
      %dma_start3A_220 = tpu.memref_slice %arg6[%dma_start3A_212, %dma_start3A_219] : memref<2x2048xf32, #tpu.memory_space<vmem>> -> memref<1x2048xf32, #tpu.memory_space<vmem>>
      %dma_start3A_221 = tpu.memref_squeeze %dma_start3A_220 : memref<1x2048xf32, #tpu.memory_space<vmem>> -> memref<2048xf32, #tpu.memory_space<vmem>>
      %dma_start3A_222 = arith.constant 0 : i32
      %dma_start3A_223 = tpu.memref_slice %arg2[%dma_start3A_211, %min3A_210, %dma_start3A_222] : memref<1x2048x2048xf32, #tpu.memory_space<hbm>> -> memref<1x1x2048xf32, #tpu.memory_space<hbm>>
      %dma_start3A_224 = tpu.memref_squeeze %dma_start3A_223 : memref<1x1x2048xf32, #tpu.memory_space<hbm>> -> memref<2048xf32, #tpu.memory_space<hbm>>
      tpu.enqueue_dma source(%dma_start3A_224 : memref<2048xf32, #tpu.memory_space<hbm>>) target(%dma_start3A_221 : memref<2048xf32, #tpu.memory_space<vmem>>) target_semaphore(%arg9 : memref<!tpu.dma_semaphore, #tpu.memory_space<semaphore_mem>>)
    }
    %scan3A_39 = arith.constant 32 : i32
    %dma_wait3A = arith.constant 0 : i32
    %dma_wait3A_40 = arith.constant 0 : i32
    %dma_wait3A_41 = arith.constant 0 : i32
    %dma_wait3A_42 = tpu.memref_slice %arg6[%dma_wait3A_40, %dma_wait3A_41] : memref<2x2048xf32, #tpu.memory_space<vmem>> -> memref<1x2048xf32, #tpu.memory_space<vmem>>
    %dma_wait3A_43 = tpu.memref_squeeze %dma_wait3A_42 : memref<1x2048xf32, #tpu.memory_space<vmem>> -> memref<2048xf32, #tpu.memory_space<vmem>>
    %dma_wait3A_44 = arith.constant 0 : i32
    %dma_wait3A_45 = tpu.memref_slice %arg2[%dma_wait3A, %sub3A_5, %dma_wait3A_44] : memref<1x2048x2048xf32, #tpu.memory_space<hbm>> -> memref<1x1x2048xf32, #tpu.memory_space<hbm>>
    %dma_wait3A_46 = tpu.memref_squeeze %dma_wait3A_45 : memref<1x1x2048xf32, #tpu.memory_space<hbm>> -> memref<2048xf32, #tpu.memory_space<hbm>>
    %dma_wait3A_47 = arith.constant 0 : i32
    %dma_wait3A_48 = tpu.memref_slice %arg6[%dma_wait3A_40, %dma_wait3A_47] : memref<2x2048xf32, #tpu.memory_space<vmem>> -> memref<1x2048xf32, #tpu.memory_space<vmem>>
    %dma_wait3A_49 = tpu.memref_squeeze %dma_wait3A_48 : memref<1x2048xf32, #tpu.memory_space<vmem>> -> memref<2048xf32, #tpu.memory_space<vmem>>
    %dma_wait3A_50 = arith.constant 0 : i32
    %dma_wait3A_51 = tpu.memref_slice %arg2[%dma_wait3A, %sub3A_5, %dma_wait3A_50] : memref<1x2048x2048xf32, #tpu.memory_space<hbm>> -> memref<1x1x2048xf32, #tpu.memory_space<hbm>>
    %dma_wait3A_52 = tpu.memref_squeeze %dma_wait3A_51 : memref<1x1x2048xf32, #tpu.memory_space<hbm>> -> memref<2048xf32, #tpu.memory_space<hbm>>
    tpu.wait_dma2 semaphore(%arg8 : memref<!tpu.dma_semaphore, #tpu.memory_space<semaphore_mem>>) src(%dma_wait3A_52 : memref<2048xf32, #tpu.memory_space<hbm>>) dst(%dma_wait3A_49 : memref<2048xf32, #tpu.memory_space<vmem>>)
    %dma_wait3A_53 = arith.constant 0 : i32
    %dma_wait3A_54 = arith.constant 1 : i32
    %dma_wait3A_55 = arith.constant 0 : i32
    %dma_wait3A_56 = tpu.memref_slice %arg6[%dma_wait3A_54, %dma_wait3A_55] : memref<2x2048xf32, #tpu.memory_space<vmem>> -> memref<1x2048xf32, #tpu.memory_space<vmem>>
    %dma_wait3A_57 = tpu.memref_squeeze %dma_wait3A_56 : memref<1x2048xf32, #tpu.memory_space<vmem>> -> memref<2048xf32, #tpu.memory_space<vmem>>
    %dma_wait3A_58 = arith.constant 0 : i32
    %dma_wait3A_59 = tpu.memref_slice %arg2[%dma_wait3A_53, %sub3A_5, %dma_wait3A_58] : memref<1x2048x2048xf32, #tpu.memory_space<hbm>> -> memref<1x1x2048xf32, #tpu.memory_space<hbm>>
    %dma_wait3A_60 = tpu.memref_squeeze %dma_wait3A_59 : memref<1x1x2048xf32, #tpu.memory_space<hbm>> -> memref<2048xf32, #tpu.memory_space<hbm>>
    %dma_wait3A_61 = arith.constant 0 : i32
    %dma_wait3A_62 = tpu.memref_slice %arg6[%dma_wait3A_54, %dma_wait3A_61] : memref<2x2048xf32, #tpu.memory_space<vmem>> -> memref<1x2048xf32, #tpu.memory_space<vmem>>
    %dma_wait3A_63 = tpu.memref_squeeze %dma_wait3A_62 : memref<1x2048xf32, #tpu.memory_space<vmem>> -> memref<2048xf32, #tpu.memory_space<vmem>>
    %dma_wait3A_64 = arith.constant 0 : i32
    %dma_wait3A_65 = tpu.memref_slice %arg2[%dma_wait3A_53, %sub3A_5, %dma_wait3A_64] : memref<1x2048x2048xf32, #tpu.memory_space<hbm>> -> memref<1x1x2048xf32, #tpu.memory_space<hbm>>
    %dma_wait3A_66 = tpu.memref_squeeze %dma_wait3A_65 : memref<1x1x2048xf32, #tpu.memory_space<hbm>> -> memref<2048xf32, #tpu.memory_space<hbm>>
    tpu.wait_dma2 semaphore(%arg9 : memref<!tpu.dma_semaphore, #tpu.memory_space<semaphore_mem>>) src(%dma_wait3A_66 : memref<2048xf32, #tpu.memory_space<hbm>>) dst(%dma_wait3A_63 : memref<2048xf32, #tpu.memory_space<vmem>>)
    %sub3A_67 = arith.constant 1 : i32
    %sub3A_68 = arith.subi %sub3A_5, %sub3A_67 : i32
    %dma_wait3A_69 = arith.constant 0 : i32
    %dma_wait3A_70 = arith.constant 0 : i32
    %dma_wait3A_71 = arith.constant 0 : i32
    %dma_wait3A_72 = arith.constant 0 : i32
    %dma_wait3A_73 = tpu.memref_slice %arg7[%dma_wait3A_69, %dma_wait3A_71, %dma_wait3A_72] : memref<2x16x2048xf32, #tpu.memory_space<vmem>> -> memref<1x16x2048xf32, #tpu.memory_space<vmem>>
    %dma_wait3A_74 = tpu.memref_squeeze %dma_wait3A_73 : memref<1x16x2048xf32, #tpu.memory_space<vmem>> -> memref<16x2048xf32, #tpu.memory_space<vmem>>
    %dma_wait3A_75 = arith.constant 0 : i32
    %dma_wait3A_76 = arith.constant 0 : i32
    %dma_wait3A_77 = tpu.memref_slice %arg4[%dma_wait3A_70, %sub3A_68, %dma_wait3A_75, %dma_wait3A_76] : memref<1x2048x16x2048xf32, #tpu.memory_space<hbm>> -> memref<1x1x16x2048xf32, #tpu.memory_space<hbm>>
    %dma_wait3A_78 = tpu.memref_squeeze %dma_wait3A_77 : memref<1x1x16x2048xf32, #tpu.memory_space<hbm>> -> memref<16x2048xf32, #tpu.memory_space<hbm>>
    %dma_wait3A_79 = arith.constant 0 : i32
    %dma_wait3A_80 = arith.constant 0 : i32
    %dma_wait3A_81 = tpu.memref_slice %arg4[%dma_wait3A_70, %sub3A_68, %dma_wait3A_79, %dma_wait3A_80] : memref<1x2048x16x2048xf32, #tpu.memory_space<hbm>> -> memref<1x1x16x2048xf32, #tpu.memory_space<hbm>>
    %dma_wait3A_82 = tpu.memref_squeeze %dma_wait3A_81 : memref<1x1x16x2048xf32, #tpu.memory_space<hbm>> -> memref<16x2048xf32, #tpu.memory_space<hbm>>
    %dma_wait3A_83 = arith.constant 0 : i32
    %dma_wait3A_84 = arith.constant 0 : i32
    %dma_wait3A_85 = tpu.memref_slice %arg7[%dma_wait3A_69, %dma_wait3A_83, %dma_wait3A_84] : memref<2x16x2048xf32, #tpu.memory_space<vmem>> -> memref<1x16x2048xf32, #tpu.memory_space<vmem>>
    %dma_wait3A_86 = tpu.memref_squeeze %dma_wait3A_85 : memref<1x16x2048xf32, #tpu.memory_space<vmem>> -> memref<16x2048xf32, #tpu.memory_space<vmem>>
    tpu.wait_dma2 semaphore(%arg10 : memref<!tpu.dma_semaphore, #tpu.memory_space<semaphore_mem>>) src(%dma_wait3A_86 : memref<16x2048xf32, #tpu.memory_space<vmem>>) dst(%dma_wait3A_82 : memref<16x2048xf32, #tpu.memory_space<hbm>>)
    %dma_wait3A_87 = arith.constant 1 : i32
    %dma_wait3A_88 = arith.constant 0 : i32
    %dma_wait3A_89 = arith.constant 0 : i32
    %dma_wait3A_90 = arith.constant 0 : i32
    %dma_wait3A_91 = tpu.memref_slice %arg7[%dma_wait3A_87, %dma_wait3A_89, %dma_wait3A_90] : memref<2x16x2048xf32, #tpu.memory_space<vmem>> -> memref<1x16x2048xf32, #tpu.memory_space<vmem>>
    %dma_wait3A_92 = tpu.memref_squeeze %dma_wait3A_91 : memref<1x16x2048xf32, #tpu.memory_space<vmem>> -> memref<16x2048xf32, #tpu.memory_space<vmem>>
    %dma_wait3A_93 = arith.constant 0 : i32
    %dma_wait3A_94 = arith.constant 0 : i32
    %dma_wait3A_95 = tpu.memref_slice %arg4[%dma_wait3A_88, %sub3A_5, %dma_wait3A_93, %dma_wait3A_94] : memref<1x2048x16x2048xf32, #tpu.memory_space<hbm>> -> memref<1x1x16x2048xf32, #tpu.memory_space<hbm>>
    %dma_wait3A_96 = tpu.memref_squeeze %dma_wait3A_95 : memref<1x1x16x2048xf32, #tpu.memory_space<hbm>> -> memref<16x2048xf32, #tpu.memory_space<hbm>>
    %dma_wait3A_97 = arith.constant 0 : i32
    %dma_wait3A_98 = arith.constant 0 : i32
    %dma_wait3A_99 = tpu.memref_slice %arg4[%dma_wait3A_88, %sub3A_5, %dma_wait3A_97, %dma_wait3A_98] : memref<1x2048x16x2048xf32, #tpu.memory_space<hbm>> -> memref<1x1x16x2048xf32, #tpu.memory_space<hbm>>
    %dma_wait3A_100 = tpu.memref_squeeze %dma_wait3A_99 : memref<1x1x16x2048xf32, #tpu.memory_space<hbm>> -> memref<16x2048xf32, #tpu.memory_space<hbm>>
    %dma_wait3A_101 = arith.constant 0 : i32
    %dma_wait3A_102 = arith.constant 0 : i32
    %dma_wait3A_103 = tpu.memref_slice %arg7[%dma_wait3A_87, %dma_wait3A_101, %dma_wait3A_102] : memref<2x16x2048xf32, #tpu.memory_space<vmem>> -> memref<1x16x2048xf32, #tpu.memory_space<vmem>>
    %dma_wait3A_104 = tpu.memref_squeeze %dma_wait3A_103 : memref<1x16x2048xf32, #tpu.memory_space<vmem>> -> memref<16x2048xf32, #tpu.memory_space<vmem>>
    tpu.wait_dma2 semaphore(%arg11 : memref<!tpu.dma_semaphore, #tpu.memory_space<semaphore_mem>>) src(%dma_wait3A_104 : memref<16x2048xf32, #tpu.memory_space<vmem>>) dst(%dma_wait3A_100 : memref<16x2048xf32, #tpu.memory_space<hbm>>)
    return
  }
}

</mosaic_0001>

<sc_bundles>
// kernel: _embed.3.cloned.1.call-start
scs
__scs_entry_jumppad:
0x0: {  	(pc) =	sbr.rel $0x88, $3  }
0x1: {  	(tag) =	ssettag $0x0;
	lr =	simm.s32 $0x1  }
0x2: {  	[smem:$0x3F9F] =	sst lr;
	_ =	strace $0xD0000000  }
0x3: {  	_ = 	snop  }
0x4: {  	_ = 	snop  }
0x5: {  	_ = 	snop  }
0x6: {  	_ = 	snop  }
0x7: {  	_ = 	snop  }
__scs_overlays_trampoline_lowered:
0x8: {  	[smem:$0x3FAE] =	sst s0  }
0x9: {  	[smem:$0x3FAF] =	sst s1  }
0xa: {  	[smem:$0x3FB0] =	sst s2  }
0xb: {  	[smem:$0x3FB1] =	sst s3  }
0xc: {  	[smem:$0x3FB2] =	sst s4  }
0xd: {  	[smem:$0x3FB3] =	sst s5  }
0xe: {  	[smem:$0x3FB4] =	sst s6  }
0xf: {  	[smem:$0x3FB5] =	sst s7  }
0x10: {  	[smem:$0x3FB6] =	sst s8  }
0x11: {  	[smem:$0x3FB7] =	sst s9;
	s0 =	simm.s32 @!p0 $0x0  }
0x12: {  	s1 =	sld [smem:$0x3F9D];
	s0 =	simm.s32 @p0 $0x1  }
0x13: {  	[smem:$0x3FB8] =	sst s0;
	s0 =	simm.s32 @!p1 $0x0  }
0x14: {  	s2 =	sld [smem:$0x3F9C];
	s0 =	simm.s32 @p1 $0x1  }
0x15: {  	[smem:$0x3FB9] =	sst s0;
	s0 =	simm.s32 @!p2 $0x0  }
0x16: {  	s3 =	sld [smem:$0x3FDB];
	s0 =	simm.s32 @p2 $0x1  }
0x17: {  	s4 =	simm.s32 $0x1BF5;
	[smem:$0x3FBB] =	sst s0  }
0x18: {  	s0 =	sld [smem:$0x3F9E];
	_ =	swait.ge [sflag:s4], $0x0  }
0x19: {  	s7 =	sld [smem:$0x3F9F]  }
0x1a: {  	s8 =	sadd.s32 $0xFFFFE003, lr  }
0x1b: {  	s9 =	sadd.s32 $0xFFFFFEF7, lr;
	s5 =	simm.s32 $0xFFFFFFFF;
	p2 =	slt.u32 s8, $0xFFFFF086  }
0x1c: {  	p1 =	slt.u32 s9, $0xF7A;
	s5 =	simm.s32 @!p2 $0x0  }
0x1d: {  	s5 =	simm.s32 @p1 $0x1;
	p0 =	seq.s32 s7, s2  }
0x1e: {  	s7 =	smul.u32 @!p0 $0xF7A, s2;
	p2 =	seq.s32 @!p0 s5, $0x0  }
0x1f: {  	s9 =	smul.u32 $0xF7A, s1;
	s8 =	simm.s32 @!p0 $0x1BF5;
	p2 =	por !p2, p0  }
0x20: {  	[sflag:s8] =	ssyncset.s32 @!p0 $0xFFFFF086;
	s6 =	sadd.s32 @!p0 s3, s7;
	s7 =	simm.s32 @!p0 $0x108  }
0x21: {  	s3 =	sadd.s32 s3, s9;
	s6 =	sadd.s32 @!p0 $0x88, s6;
	s7 =	simm.s32 @p2 $0x1082  }
0x22: {  	[simem:s7], [sflag:s8] =	dma.local @!p0 [hbm:s6], $0xF7A  }
0x23: {  	s9 =	sor.u32 $0xD0000000, s2;
	s6 =	simm.s32 $0x108;
	_ =	swait.ge @!p0 [sflag:s8], $0x0  }
0x24: {  	s3 =	sadd.s32 $0x88, s3;
	s6 =	simm.s32 @!p1 $0x1082;
	[sflag:s4] =	ssyncset.s32 $0xFFFFF086  }
0x25: {  	[simem:s6], [sflag:s4] =	dma.local [hbm:s3], $0xF7A  }
0x26: {  	[smem:$0x3F9F] =	sst s1;
	(tag) =	ssettag s2;
	_ =	strace s9  }
0x27: {  	s1 =	sld [smem:$0x3FAF]  }
0x28: {  	s2 =	sld [smem:$0x3FB0]  }
0x29: {  	s4 =	sld [smem:$0x3FB2]  }
0x2a: {  	p0 =	seq.s32 s5, $0x0;
	s5 =	sld [smem:$0x3FB3]  }
0x2b: {  	s6 =	sld [smem:$0x3FB4]  }
0x2c: {  	s7 =	sld [smem:$0x3FB5]  }
0x2d: {  	s3 =	simm.s32 $0x108;
	s8 =	sld [smem:$0x3FB6]  }
0x2e: {  	s3 =	simm.s32 @!p0 $0x1082;
	s9 =	sld [smem:$0x3FB7]  }
0x2f: {  	lr =	sadd.s32 s0, s3;
	s0 =	sld [smem:$0x3FAE]  }
0x30: {  	s3 =	sld [smem:$0x3FB1]  }
0x31: {  	[smem:$0x3FBA] =	sst s10  }
0x32: {  	s10 =	sld [smem:$0x3FB8];
	_ =	sdelay $0x3  }
0x33: {  	p0 =	seq.s32 s10, $0x1;
	s10 =	sld [smem:$0x3FBA];
	_ =	sdelay $0x3  }
0x34: {  	[smem:$0x3FBA] =	sst s10  }
0x35: {  	s10 =	sld [smem:$0x3FB9];
	_ =	sdelay $0x3  }
0x36: {  	p1 =	seq.s32 s10, $0x1;
	s10 =	sld [smem:$0x3FBA];
	_ =	sdelay $0x3  }
0x37: {  	[smem:$0x3FBA] =	sst s10  }
0x38: {  	s10 =	sld [smem:$0x3FBB]  }
0x39: {  	_ = 	snop;
	(pc) =	sbr.ind lr, $3  }
0x3a: {  	_ = 	snop  }
0x3b: {  	_ = 	snop  }
0x3c: {  	p2 =	seq.s32 s10, $0x1;
	s10 =	sld [smem:$0x3FBA]  }
0x3d: {  	_ =	shalt  }
0x3e: {  	_ =	shalt  }
0x3f: {  	_ =	shalt  }
0x40: {  	_ =	shalt  }
0x41: {  	_ =	shalt  }
0x42: {  	_ =	shalt  }
0x43: {  	_ =	shalt  }
0x44: {  	_ =	shalt  }
0x45: {  	_ =	shalt  }
0x46: {  	_ =	shalt  }
0x47: {  	_ =	shalt  }
0x48: {  	_ =	shalt  }
0x49: {  	_ =	shalt  }
0x4a: {  	_ =	shalt  }
0x4b: {  	_ =	shalt  }
0x4c: {  	_ =	shalt  }
0x4d: {  	_ =	shalt  }
0x4e: {  	_ =	shalt  }
0x4f: {  	_ =	shalt  }
0x50: {  	_ =	shalt  }
0x51: {  	_ =	shalt  }
0x52: {  	_ =	shalt  }
0x53: {  	_ =	shalt  }
0x54: {  	_ =	shalt  }
0x55: {  	_ =	shalt  }
0x56: {  	_ =	shalt  }
0x57: {  	_ =	shalt  }
0x58: {  	_ =	shalt  }
0x59: {  	_ =	shalt  }
0x5a: {  	_ =	shalt  }
0x5b: {  	_ =	shalt  }
0x5c: {  	_ =	shalt  }
0x5d: {  	_ =	shalt  }
0x5e: {  	_ =	shalt  }
0x5f: {  	_ =	shalt  }
0x60: {  	_ =	shalt  }
0x61: {  	_ =	shalt  }
0x62: {  	_ =	shalt  }
0x63: {  	_ =	shalt  }
0x64: {  	_ =	shalt  }
0x65: {  	_ =	shalt  }
0x66: {  	_ =	shalt  }
0x67: {  	_ =	shalt  }
0x68: {  	_ =	shalt  }
0x69: {  	_ =	shalt  }
0x6a: {  	_ =	shalt  }
0x6b: {  	_ =	shalt  }
0x6c: {  	_ =	shalt  }
0x6d: {  	_ =	shalt  }
0x6e: {  	_ =	shalt  }
0x6f: {  	_ =	shalt  }
0x70: {  	_ =	shalt  }
0x71: {  	_ =	shalt  }
0x72: {  	_ =	shalt  }
0x73: {  	_ =	shalt  }
0x74: {  	_ =	shalt  }
0x75: {  	_ =	shalt  }
0x76: {  	_ =	shalt  }
0x77: {  	_ =	shalt  }
0x78: {  	_ =	shalt  }
0x79: {  	_ =	shalt  }
0x7a: {  	_ =	shalt  }
0x7b: {  	_ =	shalt  }
0x7c: {  	_ =	shalt  }
0x7d: {  	_ =	shalt  }
0x7e: {  	_ =	shalt  }
0x7f: {  	_ =	shalt  }
0x80: {  	_ =	shalt  }
0x81: {  	_ =	shalt  }
0x82: {  	_ =	shalt  }
0x83: {  	_ =	shalt  }
0x84: {  	_ =	shalt  }
0x85: {  	_ =	shalt  }
0x86: {  	_ =	shalt  }
0x87: {  	_ =	shalt  }
.Lfunc_end0:
.L_simem_size_0:
called_computation_lowered:
.L_overlay_start_0:
0x88: {  	s2 =	sld [smem:$0x3FD9]  }
0x89: {  	s3 =	sld [smem:$0x3FFE];
	_ =	sdelay $0x1  }
0x8a: {  	s1 =	srdreg.scid  }
0x8b: {  	s0 =	sand.u32 $0x1, s1  }
0x8c: {  	s18 =	sshll.u32 s0, $0xA;
	s2 =	sadd.s32 s3, s2  }
0x8d: {  	s2 =	sadd.s32 s2, s18  }
0x8e: {  	[smem:$0x3FC6] =	sst s2  }
0x8f: {  	_ = 	snop  }
0x90: {  	s2 =	sld [smem:$0x3FC9]  }
0x91: {  	s19 =	sld [smem:$0x3FC8]  }
0x92: {  	s4 =	sld [smem:$0x3FD0];
	(tm) =	ssettm $0x1  }
0x93: {  	s5 =	sld [smem:$0x3FFB];
	_ =	sdelay $0x3  }
0x94: {  	_ =	strace s5  }
0x95: {  	s5 =	sld [smem:$0x3FFC];
	_ =	sdelay $0x3  }
0x96: {  	_ =	strace s5  }
0x97: {  	s5 =	sld [smem:$0x3FFD];
	_ =	sdelay $0x3  }
0x98: {  	_ =	strace s5  }
0x99: {  	_ =	strace $0x8FFFFFFF  }
0x9a: {  	s20 =	sld [smem:$0x3FDB];
	_ =	sdelay $0x1  }
0x9b: {  	s6 =	simm.s32 $_scs_section_size  }
0x9c: {  	s7 =	simm.s32 $_size__tile_overlayer_lowered;
	s8 =	simm.s32 $_tile_overlayer_lowered  }
0x9d: {  	s23 =	simm.s32 $0x1BFF;
	s22 =	sshll.u32 s8, $0x1;
	s5 =	sadd.s32 s6, s20  }
0x9e: {  	s9 =	simm.s32 $0x0;
	s21 =	sshll.u32 s7, $0x1;
	s7 =	sadd.s32 s22, s5  }
0x9f: {  	[timem:s9], [sflag:s23] =	dma.local [hbm:s7], s21  }
0xa0: {  	_ =	swait.ge [sflag:s23], s21  }
0xa1: {  	s6 =	ssub.s32 $0x0, s21;
	[sflag:s23] =	ssyncset.done $0x0  }
0xa2: {  	[sflag:s23] =	ssyncadd.s32 s6;
	_ =	sdelay $0x1  }
0xa3: {  	s24 =	simm.s32 $0x1B8B  }
0xa4: {  	_ =	swait.ge [sflag:s24], $0x1  }
0xa5: {  	[sflag:s24] =	ssyncset.done $0x0  }
0xa6: {  	s25 =	simm.s32 $0x1B8E;
	[sflag:s24] =	ssyncadd.s32 $0xFFFFFFFF  }
0xa7: {  	s26 =	simm.s32 $execute0_lowered;
	[smem:$0x3FD2] =	sst s25  }
0xa8: {  	s6 =	sshll.u32 s26, $0x1;
	_ =	strace $0x80000046;
	[dreg:$0x1] =	wrdreg $0xFFFFFFFF  }
0xa9: {  	s28 =	simm.s32 $_size_execute0_lowered;
	s5 =	sadd.s32 s5, s6;
	[dreg:$0x0] =	wrdreg $0x0  }
0xaa: {  	s6 =	sshll.u32 s28, $0x1;
	[dreg:$0x2] =	wrdreg s5  }
0xab: {  	[dreg:$0x3] =	wrdreg s6  }
0xac: {  	[dreg:$0x4] =	wrdreg $0xC0  }
0xad: {  	_ =	task [dreg:s9], $0x5FFFF  }
0xae: {  	[dreg:$0x1] =	wrdreg $0xFFFFFFFF  }
0xaf: {  	[dreg:$0x0] =	wrdreg $0x60  }
0xb0: {  	[dreg:$0x2] =	wrdreg s2  }
0xb1: {  	[dreg:$0x3] =	wrdreg s19  }
0xb2: {  	[dreg:$0x4] =	wrdreg s4  }
0xb3: {  	[dreg:$0x5] =	wrdreg $0x9  }
0xb4: {  	_ =	task.clear_ibuf [dreg:s9], $0x6FFFF;
	_ =	strace $0x90000046  }
0xb5: {  	s29 =	simm.s32 $0x9;
	_ =	strace $0x80000048  }
0xb6: {  	_ =	swait.ge [sflag:s29], $0x1  }
0xb7: {  	[sflag:s29] =	ssyncadd.s32 $0xFFFFFFFF  }
0xb8: {  	_ =	strace $0x90000048  }
0xb9: {  	_ =	sfence  }
0xba: {  	s30 =	sld [smem:$0x0];
	_ =	sdelay $0x2  }
0xbb: {  	s31 =	sshll.u32 s1, $0xD;
	s1 =	sshrl.u32 s1, $0x2  }
0xbc: {  	s3 =	sand.u32 $0x4000, s31;
	s1 =	sadd.s32 s1, s30  }
0xbd: {  	s0 =	sor.u32 s3, s0;
	s1 =	sshll.u32 s1, $0x11  }
0xbe: {  	s0 =	sor.u32 s1, s0  }
0xbf: {  	s0 =	sadd.s32 $0x8F2B, s0  }
0xc0: {  	[sflag:s0] =	ssyncadd.remote.s32 $0x1  }
0xc1: {  	_ =	sfence.sel $0xFFFF  }
0xc2: {  	[dreg:$0x0] =	wrdreg $0xFFFFFFFF;
	(pc) =	sbr.abs _section_cstart, $3  }
0xc3: {  	[dreg:$0x1] =	wrdreg $0xFFFFFFFF  }
0xc4: {  	_ =	task.clear_ibuf [dreg:s9], $0x2FFFF;
	_ =	strace $0x9FFFFFFF  }
0xc5: {  	(tm) =	ssettm $0x7FFFFFFF  }
tec
execute0_lowered:
.L_overlay_start_1:
0x0: {  	(tag) =	ssettag $0x1  }
0x1: {  	s3 =	rddreg [dreg:$0x0]  }
0x2: {  	s4 =	rddreg [dreg:$0x2];
	s0 =	srdreg.scid  }
0x3: {  	s1 =	stileid.u32;
	s5 =	simm.s32 $0x0;
	s0 =	sand.u32 $0x1, s0  }
0x4: {  	s1 =	sshll.u32 s1, $0x7;
	[smem:$0x7FF] =	sst s5;
	s22 =	sadd.s32 $0x1000, s4  }
0x5: {  	s2 =	sshll.u32 s0, $0x6;
	s0 =	ssub.s32 $0x2, s0;
	_ =	strace $0x80000047  }
0x6: {  	[dreg:$0x8] =	wrdreg s22;
	s6 =	sor.u32 s2, s1;
	s19 =	sshrl.u32 s0, $0x1  }
0x7: {  	s0 =	ssub.s32 s0, s19;
	[dreg:$0x4] =	wrdreg s6;
	s20 =	sor.u32 $0x3F, s6  }
0x8: {  	s2 =	sshll.u32 s6, $0x8;
	[dreg:$0x5] =	wrdreg s20;
	s0 =	smax.u32 s0, $0x1  }
0x9: {  	s21 =	sadd.s32 s3, s2;
	[dreg:$0x9] =	wrdreg s0  }
0xa: {  	s2 =	sadd.s32 $0x10, s21;
	[dreg:$0x6] =	wrdreg s21  }
0xb: {  	s23 =	sadd.s32 $0x80, s21;
	[dreg:$0x7] =	wrdreg s2  }
0xc: {  	s24 =	sadd.s32 $0x100, s21;
	[dreg:$0xa] =	wrdreg s23  }
0xd: {  	s25 =	sadd.s32 $0x180, s21;
	[dreg:$0xb] =	wrdreg s24  }
0xe: {  	s26 =	sadd.s32 $0x200, s21;
	[dreg:$0xc] =	wrdreg s25  }
0xf: {  	s28 =	sadd.s32 $0x280, s21;
	[dreg:$0xd] =	wrdreg s26  }
0x10: {  	s29 =	sadd.s32 $0x300, s21;
	[dreg:$0xe] =	wrdreg s28  }
0x11: {  	s30 =	sadd.s32 $0x380, s21;
	[dreg:$0xf] =	wrdreg s29  }
0x12: {  	s31 =	sadd.s32 $0x400, s21;
	[dreg:$0x10] =	wrdreg s30  }
0x13: {  	[dreg:$0x11] =	wrdreg s31;
	s2 =	simm.s32 $0x0  }
.LBB2_1:
0x14: {  	[dreg:$0x12] =	wrdreg s2  }
0x15: {  	s0 =	rddreg [dreg:$0x1];
	s20 =	simm.s32 $0x5  }
0x16: {  	[tilespmem:s5], [sflag:$0x5] =	stream.linear.gather [hbm4b:s0+s5], $0x2080, $0x38;
	[tilespmem:$0x13080] =	vst v63  }
0x17: {  	_ =	swait.ge [sflag:s20], $0x2080  }
0x18: {  	[sflag:s20] =	ssyncset.done $0x0  }
0x19: {  	s21 =	simm.s32 $0x2080;
	s1 =	rddreg [dreg:$0x6];
	[sflag:s20] =	ssyncadd.s32 $0xFFFFDF80  }
0x1a: {  	[tilespmem:s21], [sflag:$0x1] =	stream.linear.gather [hbm4b:s1+s5], $0x80, $0x38;
	[tilespmem:$0x13080] =	vst v63  }
0x1b: {  	s23 =	simm.s32 $0x2180;
	s22 =	rddreg [dreg:$0xa]  }
0x1c: {  	[tilespmem:s23], [sflag:$0x1] =	stream.linear.gather [hbm4b:s22+s5], $0x80, $0x38;
	[tilespmem:$0x13080] =	vst v63  }
0x1d: {  	s25 =	simm.s32 $0x2280;
	s24 =	rddreg [dreg:$0xb]  }
0x1e: {  	[tilespmem:s25], [sflag:$0x1] =	stream.linear.gather [hbm4b:s24+s5], $0x80, $0x38;
	[tilespmem:$0x13080] =	vst v63  }
0x1f: {  	s28 =	simm.s32 $0x2380;
	s26 =	rddreg [dreg:$0xc]  }
0x20: {  	[tilespmem:s28], [sflag:$0x1] =	stream.linear.gather [hbm4b:s26+s5], $0x80, $0x38;
	[tilespmem:$0x13080] =	vst v63  }
0x21: {  	s31 =	simm.s32 $0x2480;
	s29 =	rddreg [dreg:$0xd]  }
0x22: {  	[tilespmem:s31], [sflag:$0x1] =	stream.linear.gather [hbm4b:s29+s5], $0x80, $0x38;
	[tilespmem:$0x13080] =	vst v63  }
0x23: {  	s3 =	simm.s32 $0x2580;
	s2 =	rddreg [dreg:$0xe]  }
0x24: {  	[tilespmem:s3], [sflag:$0x1] =	stream.linear.gather [hbm4b:s2+s5], $0x80, $0x38;
	[tilespmem:$0x13080] =	vst v63  }
0x25: {  	s6 =	simm.s32 $0x2680;
	s4 =	rddreg [dreg:$0xf]  }
0x26: {  	[tilespmem:s6], [sflag:$0x1] =	stream.linear.gather [hbm4b:s4+s5], $0x80, $0x38;
	[tilespmem:$0x13080] =	vst v63  }
0x27: {  	s8 =	simm.s32 $0x2780;
	s7 =	rddreg [dreg:$0x10]  }
0x28: {  	[tilespmem:s8], [sflag:$0x1] =	stream.linear.gather [hbm4b:s7+s5], $0x80, $0x38;
	[tilespmem:$0x13080] =	vst v63  }
0x29: {  	s10 =	simm.s32 $0x2880;
	s9 =	rddreg [dreg:$0x11]  }
0x2a: {  	[tilespmem:s10], [sflag:$0x1] =	stream.linear.gather [hbm4b:s9+s5], $0x80, $0x38;
	[tilespmem:$0x13080] =	vst v63  }
0x2b: {  	s12 =	simm.s32 $0x2980;
	s11 =	sadd.s32 $0x480, s1  }
0x2c: {  	[tilespmem:s12], [sflag:$0x1] =	stream.linear.gather [hbm4b:s11+s5], $0x80, $0x38;
	[tilespmem:$0x13080] =	vst v63  }
0x2d: {  	s14 =	simm.s32 $0x2A80;
	s13 =	sadd.s32 $0x500, s1  }
0x2e: {  	[tilespmem:s14], [sflag:$0x1] =	stream.linear.gather [hbm4b:s13+s5], $0x80, $0x38;
	[tilespmem:$0x13080] =	vst v63  }
0x2f: {  	s16 =	simm.s32 $0x2B80;
	s15 =	sadd.s32 $0x580, s1  }
0x30: {  	[tilespmem:s16], [sflag:$0x1] =	stream.linear.gather [hbm4b:s15+s5], $0x80, $0x38;
	[tilespmem:$0x13080] =	vst v63  }
0x31: {  	s18 =	simm.s32 $0x2C80;
	s17 =	sadd.s32 $0x600, s1  }
0x32: {  	[tilespmem:s18], [sflag:$0x1] =	stream.linear.gather [hbm4b:s17+s5], $0x80, $0x38;
	[tilespmem:$0x13080] =	vst v63  }
0x33: {  	s19 =	sadd.s32 $0x680, s1;
	s20 =	simm.s32 $0x2D80  }
0x34: {  	[tilespmem:s20], [sflag:$0x1] =	stream.linear.gather [hbm4b:s19+s5], $0x80, $0x38;
	[tilespmem:$0x13080] =	vst v63  }
0x35: {  	s21 =	sadd.s32 $0x700, s1;
	s22 =	simm.s32 $0x2E80  }
0x36: {  	[tilespmem:s22], [sflag:$0x1] =	stream.linear.gather [hbm4b:s21+s5], $0x80, $0x38;
	[tilespmem:$0x13080] =	vst v63  }
0x37: {  	s23 =	sadd.s32 $0x780, s1;
	s24 =	simm.s32 $0x2F80  }
0x38: {  	[tilespmem:s24], [sflag:$0x1] =	stream.linear.gather [hbm4b:s23+s5], $0x80, $0x38;
	[tilespmem:$0x13080] =	vst v63  }
0x39: {  	s1 =	rddreg [dreg:$0x7];
	s25 =	simm.s32 $0x2100  }
0x3a: {  	[tilespmem:s25], [sflag:$0x2] =	stream.linear.gather [hbm4b:s1+s5], $0x80, $0x38;
	[tilespmem:$0x13080] =	vst v63  }
0x3b: {  	s26 =	sadd.s32 $0x80, s1;
	s28 =	simm.s32 $0x2200  }
0x3c: {  	[tilespmem:s28], [sflag:$0x2] =	stream.linear.gather [hbm4b:s26+s5], $0x80, $0x38;
	[tilespmem:$0x13080] =	vst v63  }
0x3d: {  	s29 =	sadd.s32 $0x100, s1;
	s31 =	simm.s32 $0x2300  }
0x3e: {  	[tilespmem:s31], [sflag:$0x2] =	stream.linear.gather [hbm4b:s29+s5], $0x80, $0x38;
	[tilespmem:$0x13080] =	vst v63  }
0x3f: {  	s3 =	sadd.s32 $0x180, s1;
	s4 =	simm.s32 $0x2400  }
0x40: {  	[tilespmem:s4], [sflag:$0x2] =	stream.linear.gather [hbm4b:s3+s5], $0x80, $0x38;
	[tilespmem:$0x13080] =	vst v63  }
0x41: {  	s6 =	sadd.s32 $0x200, s1;
	s7 =	simm.s32 $0x2500  }
0x42: {  	[tilespmem:s7], [sflag:$0x2] =	stream.linear.gather [hbm4b:s6+s5], $0x80, $0x38;
	[tilespmem:$0x13080] =	vst v63  }
0x43: {  	s8 =	sadd.s32 $0x280, s1;
	s9 =	simm.s32 $0x2600  }
0x44: {  	[tilespmem:s9], [sflag:$0x2] =	stream.linear.gather [hbm4b:s8+s5], $0x80, $0x38;
	[tilespmem:$0x13080] =	vst v63  }
0x45: {  	s10 =	sadd.s32 $0x300, s1;
	s11 =	simm.s32 $0x2700  }
0x46: {  	[tilespmem:s11], [sflag:$0x2] =	stream.linear.gather [hbm4b:s10+s5], $0x80, $0x38;
	[tilespmem:$0x13080] =	vst v63  }
0x47: {  	s12 =	sadd.s32 $0x380, s1;
	s13 =	simm.s32 $0x2800  }
0x48: {  	[tilespmem:s13], [sflag:$0x2] =	stream.linear.gather [hbm4b:s12+s5], $0x80, $0x38;
	[tilespmem:$0x13080] =	vst v63  }
0x49: {  	s14 =	sadd.s32 $0x400, s1;
	s15 =	simm.s32 $0x2900  }
0x4a: {  	[tilespmem:s15], [sflag:$0x2] =	stream.linear.gather [hbm4b:s14+s5], $0x80, $0x38;
	[tilespmem:$0x13080] =	vst v63  }
0x4b: {  	s16 =	sadd.s32 $0x480, s1;
	s17 =	simm.s32 $0x2A00  }
0x4c: {  	[tilespmem:s17], [sflag:$0x2] =	stream.linear.gather [hbm4b:s16+s5], $0x80, $0x38;
	[tilespmem:$0x13080] =	vst v63  }
0x4d: {  	s18 =	sadd.s32 $0x500, s1;
	s19 =	simm.s32 $0x2B00  }
0x4e: {  	[tilespmem:s19], [sflag:$0x2] =	stream.linear.gather [hbm4b:s18+s5], $0x80, $0x38;
	[tilespmem:$0x13080] =	vst v63  }
0x4f: {  	s20 =	sadd.s32 $0x580, s1;
	s21 =	simm.s32 $0x2C00  }
0x50: {  	[tilespmem:s21], [sflag:$0x2] =	stream.linear.gather [hbm4b:s20+s5], $0x80, $0x38;
	[tilespmem:$0x13080] =	vst v63  }
0x51: {  	s22 =	sadd.s32 $0x600, s1;
	s23 =	simm.s32 $0x2D00  }
0x52: {  	[tilespmem:s23], [sflag:$0x2] =	stream.linear.gather [hbm4b:s22+s5], $0x80, $0x38;
	[tilespmem:$0x13080] =	vst v63  }
0x53: {  	s24 =	sadd.s32 $0x680, s1;
	s25 =	simm.s32 $0x2E00  }
0x54: {  	[tilespmem:s25], [sflag:$0x2] =	stream.linear.gather [hbm4b:s24+s5], $0x80, $0x38;
	[tilespmem:$0x13080] =	vst v63  }
0x55: {  	s26 =	sadd.s32 $0x700, s1;
	s28 =	simm.s32 $0x2F00  }
0x56: {  	[tilespmem:s28], [sflag:$0x2] =	stream.linear.gather [hbm4b:s26+s5], $0x80, $0x38;
	[tilespmem:$0x13080] =	vst v63  }
0x57: {  	s30 =	simm.s32 $0x0;
	s29 =	sadd.s32 $0x780, s1;
	s31 =	simm.s32 $0x3000  }
0x58: {  	[tilespmem:s31], [sflag:$0x2] =	stream.linear.gather [hbm4b:s29+s5], $0x80, $0x38;
	[tilespmem:$0x13080] =	vst v63  }
.LBB2_2:
0x59: {  	s1 =	simm.s32 $0x1  }
0x5a: {  	_ =	swait.ge [sflag:s1], $0x800  }
0x5b: {  	p0 =	seq.s32 s30, $0x0;
	s0 =	simm.s32 $0x0;
	[sflag:s1] =	ssyncset.done $0x0  }
0x5c: {  	s26 =	sand.u32 $0x3C00, s0;
	[sflag:s1] =	ssyncadd.s32 $0xFFFFF800;
	s1 =	simm.s32 @!p0 $0x3  }
0x5d: {  	s29 =	sand.u32 $0x40, s0;
	s24 =	sshrl.u32 s26, $0x2;
	_ =	swait.ge @!p0 [sflag:s1], $0x8000  }
0x5e: {  	s4 =	sor.u32 $0x30, s29;
	s0 =	sor.u32 $0x2080, s24;
	[sflag:s1] =	ssyncset.done @!p0 $0x0  }
0x5f: {  	s25 =	sor.u32 s4, s0;
	[sflag:s1] =	ssyncadd.s32 @!p0 $0xFFFF8000  }
0x60: {  	v0 =	vld [tilespmem:s25+$0x0]  }
0x61: {  	s28 =	sor.u32 s29, s0  }
0x62: {  	v1 =	vld [tilespmem:s28+$0x0]  }
0x63: {  	s12 =	sor.u32 $0x10, s29  }
0x64: {  	s2 =	sor.u32 s12, s0  }
0x65: {  	s8 =	sor.u32 $0x20, s29;
	v2 =	vld [tilespmem:s2+$0x0];
	v0 =	vmin.f32 v0, $1.000000000e+00  }
0x66: {  	s0 =	sor.u32 s8, s0;
	v0 =	vmul.f32 $5.120000000e+02, v0  }
0x67: {  	v4 =	vld [tilespmem:s0+$0x0];
	v1 =	vmin.f32 v1, $1.000000000e+00  }
0x68: {  	v1 =	vmul.f32 $5.120000000e+02, v1;
	v0 =	vtrunc.f32 v0  }
0x69: {  	v3 =	vcvt.f32.s32 v0  }
0x6a: {  	v1 =	vtrunc.f32 v1;
	v0 =	vmin.f32 v2, $1.000000000e+00  }
0x6b: {  	v2 =	vcvt.f32.s32 v1;
	v0 =	vmul.f32 $5.120000000e+02, v0  }
0x6c: {  	v1 =	vmin.f32 v4, $1.000000000e+00  }
0x6d: {  	v4 =	vmul.f32 $5.120000000e+02, v1;
	v0 =	vtrunc.f32 v0  }
0x6e: {  	v1 =	vcvt.f32.s32 v0  }
0x6f: {  	v0 =	vtrunc.f32 v4;
	v4 =	vld.idx.msk [tilespmem:v3+s5+$0x0], $0xffff  }
0x70: {  	v7 =	vcvt.f32.s32 v0;
	v0 =	vadd.s32 $0x201, v3  }
0x71: {  	v5 =	vld.idx.msk [tilespmem:v2+s5+$0x0], $0xffff  }
0x72: {  	s3 =	sadd.s32 $0x3080, s26;
	v6 =	vadd.s32 $0x201, v2  }
0x73: {  	s10 =	sor.u32 s4, s3  }
0x74: {  	v8 =	vld.idx.msk [tilespmem:v1+s5+$0x0], $0xffff;
	[tilespmem:s10+$0x0] =	vst v4  }
0x75: {  	s9 =	sor.u32 s29, s3;
	v4 =	vadd.s32 $0x201, v1;
	v0 =	vld.idx.msk [tilespmem:v0+s5+$0x0], $0xffff  }
0x76: {  	v9 =	vld.idx.msk [tilespmem:v7+s5+$0x0], $0xffff;
	[tilespmem:s9+$0x0] =	vst v5;
	v5 =	vadd.s32 $0x402, v3  }
0x77: {  	v10 =	vadd.s32 $0x201, v7;
	v6 =	vld.idx.msk [tilespmem:v6+s5+$0x0], $0xffff  }
0x78: {  	s6 =	sor.u32 s12, s3  }
0x79: {  	[tilespmem:s6+$0x0] =	vst v8  }
0x7a: {  	s7 =	sor.u32 s8, s3;
	v11 =	vadd.s32 $0x402, v2;
	v4 =	vld.idx.msk [tilespmem:v4+s5+$0x0], $0xffff;
	[tilespmem:s10+$0x80] =	vst v0  }
0x7b: {  	[tilespmem:s7+$0x0] =	vst v9;
	v0 =	vadd.s32 $0x402, v1;
	v5 =	vld.idx.msk [tilespmem:v5+s5+$0x0], $0xffff  }
0x7c: {  	v8 =	vld.idx.msk [tilespmem:v10+s5+$0x0], $0xffff;
	[tilespmem:s9+$0x80] =	vst v6;
	v6 =	vadd.s32 $0x603, v3  }
0x7d: {  	v9 =	vadd.s32 $0x402, v7;
	_ =	sdelay $0x1  }
0x7e: {  	v10 =	vld.idx.msk [tilespmem:v11+s5+$0x0], $0xffff;
	[tilespmem:s6+$0x80] =	vst v4  }
0x7f: {  	v11 =	vadd.s32 $0x603, v2;
	v0 =	vld.idx.msk [tilespmem:v0+s5+$0x0], $0xffff;
	[tilespmem:s10+$0x100] =	vst v5  }
0x80: {  	v4 =	vadd.s32 $0x603, v1;
	[tilespmem:s7+$0x80] =	vst v8;
	v5 =	vld.idx.msk [tilespmem:v6+s5+$0x0], $0xffff  }
0x81: {  	v8 =	vadd.s32 $0x804, v3;
	v6 =	vld.idx.msk [tilespmem:v9+s5+$0x0], $0xffff  }
0x82: {  	v9 =	vadd.s32 $0x603, v7  }
0x83: {  	[tilespmem:s9+$0x100] =	vst v10  }
0x84: {  	v10 =	vld.idx.msk [tilespmem:v11+s5+$0x0], $0xffff;
	[tilespmem:s6+$0x100] =	vst v0  }
0x85: {  	v11 =	vadd.s32 $0x804, v2;
	v0 =	vld.idx.msk [tilespmem:v4+s5+$0x0], $0xffff;
	[tilespmem:s10+$0x180] =	vst v5  }
0x86: {  	v4 =	vadd.s32 $0x804, v1;
	[tilespmem:s7+$0x100] =	vst v6;
	v5 =	vld.idx.msk [tilespmem:v8+s5+$0x0], $0xffff  }
0x87: {  	v6 =	vld.idx.msk [tilespmem:v9+s5+$0x0], $0xffff;
	v8 =	vadd.s32 $0xA05, v3  }
0x88: {  	v9 =	vadd.s32 $0x804, v7  }
0x89: {  	[tilespmem:s9+$0x180] =	vst v10  }
0x8a: {  	v10 =	vld.idx.msk [tilespmem:v11+s5+$0x0], $0xffff;
	[tilespmem:s6+$0x180] =	vst v0  }
0x8b: {  	v11 =	vadd.s32 $0xA05, v2;
	v0 =	vld.idx.msk [tilespmem:v4+s5+$0x0], $0xffff;
	[tilespmem:s10+$0x200] =	vst v5  }
0x8c: {  	v4 =	vadd.s32 $0xA05, v1;
	[tilespmem:s7+$0x180] =	vst v6;
	v5 =	vld.idx.msk [tilespmem:v8+s5+$0x0], $0xffff  }
0x8d: {  	v6 =	vld.idx.msk [tilespmem:v9+s5+$0x0], $0xffff;
	v8 =	vadd.s32 $0xC06, v3  }
0x8e: {  	v9 =	vadd.s32 $0xA05, v7  }
0x8f: {  	[tilespmem:s9+$0x200] =	vst v10  }
0x90: {  	v10 =	vld.idx.msk [tilespmem:v11+s5+$0x0], $0xffff;
	[tilespmem:s6+$0x200] =	vst v0  }
0x91: {  	v11 =	vadd.s32 $0xC06, v2;
	v0 =	vld.idx.msk [tilespmem:v4+s5+$0x0], $0xffff;
	[tilespmem:s10+$0x280] =	vst v5  }
0x92: {  	v4 =	vadd.s32 $0xC06, v1;
	[tilespmem:s7+$0x200] =	vst v6;
	v5 =	vld.idx.msk [tilespmem:v8+s5+$0x0], $0xffff  }
0x93: {  	v6 =	vld.idx.msk [tilespmem:v9+s5+$0x0], $0xffff;
	v8 =	vadd.s32 $0xE07, v3  }
0x94: {  	v9 =	vadd.s32 $0xC06, v7  }
0x95: {  	s11 =	simm.s32 $0x200;
	[tilespmem:s9+$0x280] =	vst v10  }
0x96: {  	s16 =	simm.s32 $0x40;
	s0 =	sand.u32 $0x3C00, s11;
	v10 =	vld.idx.msk [tilespmem:v11+s5+$0x0], $0xffff;
	[tilespmem:s6+$0x280] =	vst v0  }
0x97: {  	s2 =	sand.u32 $0x40, s16;
	s3 =	sshrl.u32 s0, $0x2;
	v11 =	vadd.s32 $0xE07, v2;
	v0 =	vld.idx.msk [tilespmem:v4+s5+$0x0], $0xffff;
	[tilespmem:s10+$0x300] =	vst v5  }
0x98: {  	s11 =	sor.u32 $0x30, s2;
	s13 =	sor.u32 $0x2080, s3;
	[tilespmem:s7+$0x280] =	vst v6;
	v4 =	vld.idx.msk [tilespmem:v8+s5+$0x0], $0xffff  }
0x99: {  	s3 =	sor.u32 $0x10, s2;
	s14 =	sor.u32 s11, s13;
	v5 =	vld.idx.msk [tilespmem:v9+s5+$0x0], $0xffff  }
0x9a: {  	s17 =	sor.u32 s3, s13;
	v6 =	vadd.s32 $0x1008, v3;
	v9 =	vld [tilespmem:s14+$0x0]  }
0x9b: {  	v13 =	vld [tilespmem:s17+$0x0];
	[tilespmem:s9+$0x300] =	vst v10  }
0x9c: {  	s15 =	sor.u32 s2, s13;
	v10 =	vadd.s32 $0xE07, v1;
	v8 =	vld.idx.msk [tilespmem:v11+s5+$0x0], $0xffff;
	s14 =	sor.u32 $0x20, s2  }
0x9d: {  	v12 =	vadd.s32 $0xE07, v7;
	v11 =	vld [tilespmem:s15+$0x0];
	s13 =	sor.u32 s14, s13  }
0x9e: {  	v14 =	vld [tilespmem:s13+$0x0];
	[tilespmem:s10+$0x380] =	vst v4;
	v4 =	vadd.s32 $0x1008, v2  }
0x9f: {  	[tilespmem:s6+$0x300] =	vst v0;
	v0 =	vmin.f32 v9, $1.000000000e+00;
	v6 =	vld.idx.msk [tilespmem:v6+s5+$0x0], $0xffff  }
0xa0: {  	v9 =	vadd.s32 $0x1209, v3;
	v0 =	vmul.f32 $5.120000000e+02, v0  }
0xa1: {  	v15 =	vadd.s32 $0x1008, v1;
	[tilespmem:s7+$0x300] =	vst v5;
	v5 =	vld.idx.msk [tilespmem:v10+s5+$0x0], $0xffff  }
0xa2: {  	s15 =	sadd.s32 $0x7080, s26;
	v10 =	vadd.s32 $0x1008, v7;
	[tilespmem:s9+$0x380] =	vst v8;
	v8 =	vmin.f32 v11, $1.000000000e+00;
	v11 =	vld.idx.msk [tilespmem:v12+s5+$0x0], $0xffff;
	v0 =	vtrunc.f32 v0  }
0xa3: {  	s17 =	sor.u32 s4, s15;
	v8 =	vmul.f32 $5.120000000e+02, v8;
	v12 =	vmin.f32 v13, $1.000000000e+00;
	v0 =	vcvt.f32.s32 v0;
	v4 =	vld.idx.msk [tilespmem:v4+s5+$0x0], $0xffff  }
0xa4: {  	v12 =	vmul.f32 $5.120000000e+02, v12;
	v13 =	vmin.f32 v14, $1.000000000e+00;
	[tilespmem:s17+$0x0] =	vst v6  }
0xa5: {  	v16 =	vadd.s32 $0x1209, v2;
	v6 =	vtrunc.f32 v8;
	v8 =	vmul.f32 $5.120000000e+02, v13;
	v9 =	vld.idx.msk [tilespmem:v9+s5+$0x0], $0xffff  }
0xa6: {  	v12 =	vtrunc.f32 v12;
	[tilespmem:s6+$0x380] =	vst v5;
	v5 =	vadd.s32 $0x140A, v3;
	v24 =	vcvt.f32.s32 v6  }
0xa7: {  	s18 =	sor.u32 s29, s15;
	v21 =	vcvt.f32.s32 v12;
	[tilespmem:s7+$0x380] =	vst v11;
	v6 =	vtrunc.f32 v8;
	v8 =	vld.idx.msk [tilespmem:v15+s5+$0x0], $0xffff  }
0xa8: {  	s19 =	sadd.s32 $0x7100, s26;
	v34 =	vcvt.f32.s32 v6;
	[tilespmem:s18+$0x0] =	vst v4;
	v4 =	vld.idx.msk [tilespmem:v10+s5+$0x0], $0xffff  }
0xa9: {  	s21 =	sor.u32 s4, s19;
	v11 =	vld.idx.msk [tilespmem:v0+s5+$0x0], $0xffff  }
0xaa: {  	v10 =	vadd.s32 $0x1209, v1;
	v6 =	vld.idx.msk [tilespmem:v16+s5+$0x0], $0xffff;
	[tilespmem:s21+$0x0] =	vst v9  }
0xab: {  	v12 =	vadd.s32 $0x1209, v7;
	v5 =	vld.idx.msk [tilespmem:v5+s5+$0x0], $0xffff  }
0xac: {  	s22 =	sor.u32 s12, s15;
	v9 =	vadd.s32 $0x201, v0;
	v13 =	vld.idx.msk [tilespmem:v24+s5+$0x0], $0xffff  }
0xad: {  	s23 =	sadd.s32 $0x3080, s0;
	s9 =	sor.u32 s8, s15;
	v14 =	vadd.s32 $0x160B, v3;
	[tilespmem:s22+$0x0] =	vst v8;
	v8 =	vld.idx.msk [tilespmem:v21+s5+$0x0], $0xffff  }
0xae: {  	s24 =	sor.u32 s11, s23;
	v15 =	vadd.s32 $0x201, v24;
	[tilespmem:s9+$0x0] =	vst v4;
	v4 =	vld.idx.msk [tilespmem:v34+s5+$0x0], $0xffff  }
0xaf: {  	s25 =	sor.u32 s29, s19;
	s28 =	sadd.s32 $0x7180, s26;
	v16 =	vadd.s32 $0x201, v21;
	[tilespmem:s24+$0x0] =	vst v11;
	v10 =	vld.idx.msk [tilespmem:v10+s5+$0x0], $0xffff  }
0xb0: {  	s7 =	sor.u32 s4, s28;
	v11 =	vadd.s32 $0x201, v34;
	[tilespmem:s25+$0x0] =	vst v6;
	v12 =	vld.idx.msk [tilespmem:v12+s5+$0x0], $0xffff  }
0xb1: {  	s22 =	sor.u32 s2, s23;
	v6 =	vld.idx.msk [tilespmem:v9+s5+$0x0], $0xffff;
	v9 =	vadd.s32 $0x140A, v2;
	[tilespmem:s7+$0x0] =	vst v5  }
0xb2: {  	s18 =	sor.u32 s3, s23;
	[tilespmem:s22+$0x0] =	vst v13;
	v5 =	vadd.s32 $0x402, v0;
	v13 =	vld.idx.msk [tilespmem:v14+s5+$0x0], $0xffff  }
0xb3: {  	s20 =	sor.u32 s14, s23;
	[tilespmem:s18+$0x0] =	vst v8;
	v14 =	vadd.s32 $0x140A, v1;
	v15 =	vld.idx.msk [tilespmem:v15+s5+$0x0], $0xffff  }
0xb4: {  	s10 =	sor.u32 s12, s19;
	v8 =	vld.idx.msk [tilespmem:v16+s5+$0x0], $0xffff;
	[tilespmem:s20+$0x0] =	vst v4;
	v4 =	vadd.s32 $0x180C, v3  }
0xb5: {  	v16 =	vadd.s32 $0x402, v24;
	[tilespmem:s10+$0x0] =	vst v10;
	v11 =	vld.idx.msk [tilespmem:v11+s5+$0x0], $0xffff  }
0xb6: {  	s1 =	sor.u32 s8, s19;
	s13 =	sadd.s32 $0x7200, s26;
	v10 =	vadd.s32 $0x402, v21;
	[tilespmem:s24+$0x80] =	vst v6;
	v6 =	vld.idx.msk [tilespmem:v9+s5+$0x0], $0xffff  }
0xb7: {  	s19 =	sor.u32 s4, s13;
	[tilespmem:s1+$0x0] =	vst v12;
	v9 =	vadd.s32 $0x402, v34;
	v5 =	vld.idx.msk [tilespmem:v5+s5+$0x0], $0xffff  }
0xb8: {  	v12 =	vadd.s32 $0x140A, v7;
	v14 =	vld.idx.msk [tilespmem:v14+s5+$0x0], $0xffff;
	[tilespmem:s19+$0x0] =	vst v13  }
0xb9: {  	[tilespmem:s22+$0x80] =	vst v15;
	v13 =	vadd.s32 $0x603, v0;
	v4 =	vld.idx.msk [tilespmem:v4+s5+$0x0], $0xffff  }
0xba: {  	v15 =	vadd.s32 $0x160B, v2;
	[tilespmem:s18+$0x80] =	vst v8;
	v16 =	vld.idx.msk [tilespmem:v16+s5+$0x0], $0xffff  }
0xbb: {  	s21 =	sor.u32 s29, s28;
	v8 =	vld.idx.msk [tilespmem:v10+s5+$0x0], $0xffff;
	v10 =	vadd.s32 $0x1A0D, v3;
	[tilespmem:s20+$0x80] =	vst v11  }
0xbc: {  	v11 =	vadd.s32 $0x603, v24;
	v9 =	vld.idx.msk [tilespmem:v9+s5+$0x0], $0xffff;
	[tilespmem:s21+$0x0] =	vst v6  }
0xbd: {  	s23 =	sor.u32 s12, s28;
	s25 =	sadd.s32 $0x7280, s26;
	v6 =	vadd.s32 $0x603, v21;
	[tilespmem:s24+$0x100] =	vst v5;
	v5 =	vld.idx.msk [tilespmem:v12+s5+$0x0], $0xffff  }
0xbe: {  	s19 =	sor.u32 s4, s25;
	v12 =	vadd.s32 $0x603, v34;
	v13 =	vld.idx.msk [tilespmem:v13+s5+$0x0], $0xffff;
	[tilespmem:s23+$0x0] =	vst v14  }
0xbf: {  	v14 =	vadd.s32 $0x160B, v1;
	v15 =	vld.idx.msk [tilespmem:v15+s5+$0x0], $0xffff;
	[tilespmem:s19+$0x0] =	vst v4  }
0xc0: {  	[tilespmem:s22+$0x100] =	vst v16;
	v4 =	vadd.s32 $0x804, v0;
	v10 =	vld.idx.msk [tilespmem:v10+s5+$0x0], $0xffff  }
0xc1: {  	v16 =	vadd.s32 $0x160B, v7;
	[tilespmem:s18+$0x100] =	vst v8;
	v11 =	vld.idx.msk [tilespmem:v11+s5+$0x0], $0xffff  }
0xc2: {  	s6 =	sor.u32 s8, s28;
	v8 =	vadd.s32 $0x1C0E, v3;
	v6 =	vld.idx.msk [tilespmem:v6+s5+$0x0], $0xffff;
	[tilespmem:s20+$0x100] =	vst v9  }
0xc3: {  	v9 =	vadd.s32 $0x804, v24;
	v12 =	vld.idx.msk [tilespmem:v12+s5+$0x0], $0xffff;
	[tilespmem:s6+$0x0] =	vst v5  }
0xc4: {  	s21 =	sor.u32 s29, s13;
	s23 =	sadd.s32 $0x7300, s26;
	v5 =	vadd.s32 $0x804, v21;
	[tilespmem:s24+$0x180] =	vst v13;
	v13 =	vld.idx.msk [tilespmem:v14+s5+$0x0], $0xffff  }
0xc5: {  	s15 =	sor.u32 s4, s23;
	v14 =	vadd.s32 $0x804, v34;
	[tilespmem:s21+$0x0] =	vst v15;
	v4 =	vld.idx.msk [tilespmem:v4+s5+$0x0], $0xffff  }
0xc6: {  	v15 =	vadd.s32 $0x180C, v2;
	v16 =	vld.idx.msk [tilespmem:v16+s5+$0x0], $0xffff;
	[tilespmem:s15+$0x0] =	vst v10  }
0xc7: {  	[tilespmem:s22+$0x180] =	vst v11;
	v10 =	vadd.s32 $0xA05, v0;
	v8 =	vld.idx.msk [tilespmem:v8+s5+$0x0], $0xffff  }
0xc8: {  	v11 =	vadd.s32 $0x180C, v1;
	v9 =	vld.idx.msk [tilespmem:v9+s5+$0x0], $0xffff;
	[tilespmem:s18+$0x180] =	vst v6  }
0xc9: {  	v19 =	vadd.s32 $0x180C, v7;
	s17 =	sor.u32 s12, s13;
	v17 =	vld.idx.msk [tilespmem:v5+s5+$0x0], $0xffff;
	[tilespmem:s20+$0x180] =	vst v12  }
0xca: {  	v12 =	vadd.s32 $0x1E0F, v3;
	v14 =	vld.idx.msk [tilespmem:v14+s5+$0x0], $0xffff;
	[tilespmem:s17+$0x0] =	vst v13  }
0xcb: {  	v25 =	vadd.s32 $0x1A0D, v2;
	v18 =	vadd.s32 $0xA05, v24;
	s19 =	sor.u32 s8, s13;
	s21 =	sadd.s32 $0x7380, s26;
	v15 =	vld.idx.msk [tilespmem:v15+s5+$0x0], $0xffff;
	[tilespmem:s24+$0x200] =	vst v4  }
0xcc: {  	v45 =	vadd.s32 $0x1E0F, v2;
	v47 =	vadd.s32 $0x1C0E, v1;
	s28 =	sor.u32 s4, s21;
	v13 =	vadd.s32 $0xA05, v21;
	[tilespmem:s19+$0x0] =	vst v16;
	v10 =	vld.idx.msk [tilespmem:v10+s5+$0x0], $0xffff  }
0xcd: {  	v44 =	vadd.s32 $0x1E0F, v1;
	v41 =	vadd.s32 $0x1A0D, v7;
	v20 =	vadd.s32 $0xA05, v34;
	v11 =	vld.idx.msk [tilespmem:v11+s5+$0x0], $0xffff;
	[tilespmem:s28+$0x0] =	vst v8  }
0xce: {  	v46 =	vadd.s32 $0x1C0E, v7;
	v48 =	vadd.s32 $0x1E0F, v7;
	v33 =	vadd.s32 $0xC06, v21;
	v42 =	vld.idx.msk [tilespmem:v19+s5+$0x0], $0xffff;
	[tilespmem:s22+$0x200] =	vst v9  }
0xcf: {  	v30 =	vadd.s32 $0xE07, v21;
	v26 =	vadd.s32 $0x1008, v21;
	v8 =	vadd.s32 $0xC06, v0;
	v9 =	vld.idx.msk [tilespmem:v12+s5+$0x0], $0xffff;
	[tilespmem:s18+$0x200] =	vst v17  }
0xd0: {  	v49 =	vadd.s32 $0x1A0D, v21;
	v27 =	vadd.s32 $0xC06, v24;
	s7 =	sor.u32 s29, s25;
	v16 =	vadd.s32 $0x1A0D, v1;
	v7 =	vld.idx.msk [tilespmem:v18+s5+$0x0], $0xffff;
	[tilespmem:s20+$0x200] =	vst v14  }
0xd1: {  	v31 =	vadd.s32 $0xE07, v24;
	v28 =	vadd.s32 $0x1008, v24;
	v22 =	vadd.s32 $0x1209, v24;
	v32 =	vld.idx.msk [tilespmem:v13+s5+$0x0], $0xffff;
	[tilespmem:s7+$0x0] =	vst v15  }
0xd2: {  	v51 =	vadd.s32 $0x180C, v24;
	v35 =	vadd.s32 $0xC06, v34;
	v29 =	vadd.s32 $0xE07, v34;
	s13 =	sor.u32 s12, s25;
	s15 =	sadd.s32 $0x7400, s26;
	v40 =	vld.idx.msk [tilespmem:v20+s5+$0x0], $0xffff;
	[tilespmem:s24+$0x280] =	vst v10  }
0xd3: {  	v23 =	vadd.s32 $0x1008, v34;
	v6 =	vadd.s32 $0x1C0E, v2;
	s4 =	sor.u32 s4, s15;
	v19 =	vadd.s32 $0x1209, v34;
	v38 =	vld.idx.msk [tilespmem:v25+s5+$0x0], $0xffff;
	[tilespmem:s13+$0x0] =	vst v11  }
0xd4: {  	v18 =	vadd.s32 $0x140A, v21;
	v17 =	vadd.s32 $0x140A, v34;
	v12 =	vadd.s32 $0x180C, v34;
	v43 =	vld.idx.msk [tilespmem:v8+s5+$0x0], $0xffff;
	[tilespmem:s4+$0x0] =	vst v9  }
0xd5: {  	s10 =	sor.u32 s12, s23;
	s1 =	sor.u32 s8, s23;
	v15 =	vadd.s32 $0x140A, v24;
	v13 =	vadd.s32 $0x160B, v24;
	v14 =	vadd.s32 $0x160B, v21;
	v36 =	vld.idx.msk [tilespmem:v16+s5+$0x0], $0xffff;
	s4 =	rddreg [dreg:$0x4];
	[tilespmem:s22+$0x280] =	vst v7  }
0xd6: {  	s6 =	sor.u32 s12, s21;
	s26 =	sshll.u32 s30, $0x1;
	s28 =	sor.u32 s8, s25;
	v20 =	vadd.s32 $0x1209, v21;
	v25 =	vadd.s32 $0x1E0F, v21;
	v11 =	vadd.s32 $0x180C, v21;
	[tilespmem:s18+$0x280] =	vst v32;
	v39 =	vld.idx.msk [tilespmem:v27+s5+$0x0], $0xffff  }
0xd7: {  	s17 =	sor.u32 s12, s15;
	s19 =	sor.u32 s8, s21;
	s25 =	sor.u32 s29, s23;
	v10 =	vadd.s32 $0x1A0D, v34;
	v16 =	vadd.s32 $0x160B, v34;
	v9 =	vadd.s32 $0x1A0D, v24;
	[tilespmem:s28+$0x0] =	vst v42;
	v37 =	vld.idx.msk [tilespmem:v33+s5+$0x0], $0xffff  }
0xd8: {  	s23 =	sor.u32 s29, s21;
	s21 =	sor.u32 s29, s15;
	s29 =	sor.u32 s8, s15;
	[tilespmem:s20+$0x280] =	vst v40;
	v33 =	vadd.s32 $0x1C0E, v21;
	v27 =	vadd.s32 $0x1C0E, v34;
	v21 =	vadd.s32 $0x1E0F, v34;
	v34 =	vld.idx.msk [tilespmem:v41+s5+$0x0], $0xffff  }
0xd9: {  	s8 =	simm.s32 $0x400;
	v32 =	vadd.s32 $0x1C0E, v24;
	v24 =	vadd.s32 $0x1E0F, v24;
	s31 =	sadd.s32 s4, s26;
	s26 =	simm.s32 $0x4;
	v40 =	vadd.s32 $0xE07, v0;
	v35 =	vld.idx.msk [tilespmem:v35+s5+$0x0], $0xffff;
	[tilespmem:s24+$0x300] =	vst v43  }
.LBB2_3:
0xda: {  	_ =	sdelay $0x1  }
0xdb: {  	[tilespmem:$0x1FF90] =	vst v11  }
0xdc: {  	[tilespmem:$0x1FFA0] =	vst v9  }
0xdd: {  	s9 =	sand.u32 $0x3C00, s8;
	v40 =	vld.idx.msk [tilespmem:v40+s5+$0x0], $0xffff;
	s16 =	sadd.s32 $0x40, s16;
	[tilespmem:s25+$0x0] =	vst v38  }
0xde: {  	s4 =	sand.u32 $0x40, s16;
	s12 =	sshrl.u32 s9, $0x2;
	[tilespmem:s10+$0x0] =	vst v36;
	v38 =	vld.idx.msk [tilespmem:v6+s5+$0x0], $0xffff  }
0xdf: {  	v1 =	vmov v32;
	s10 =	sor.u32 $0x2080, s12;
	s12 =	sor.u32 $0x30, s4;
	[tilespmem:s22+$0x300] =	vst v39;
	v36 =	vld.idx.msk [tilespmem:v47+s5+$0x0], $0xffff  }
0xe0: {  	[tilespmem:$0x1FFC0] =	vst v1;
	s28 =	sor.u32 s12, s10;
	v31 =	vld.idx.msk [tilespmem:v31+s5+$0x0], $0xffff  }
0xe1: {  	s13 =	sor.u32 $0x10, s4;
	s15 =	sor.u32 $0x20, s4;
	[tilespmem:s20+$0x300] =	vst v35;
	s25 =	sor.u32 s4, s10;
	v54 =	vld [tilespmem:s28+$0x0]  }
0xe2: {  	v53 =	vadd.s32 $0x1008, v0;
	s7 =	sor.u32 s13, s10;
	s10 =	sor.u32 s15, s10;
	[tilespmem:s1+$0x0] =	vst v34;
	v55 =	vld [tilespmem:s25+$0x0]  }
0xe3: {  	[tilespmem:s18+$0x300] =	vst v37;
	v57 =	vld [tilespmem:s10+$0x0]  }
0xe4: {  	v56 =	vld [tilespmem:s7+$0x0];
	[tilespmem:s24+$0x380] =	vst v40  }
0xe5: {  	v1 =	vmov v33;
	v29 =	vld.idx.msk [tilespmem:v29+s5+$0x0], $0xffff;
	[tilespmem:s23+$0x0] =	vst v38  }
0xe6: {  	v58 =	vld.idx.msk [tilespmem:v46+s5+$0x0], $0xffff;
	[tilespmem:s6+$0x0] =	vst v36  }
0xe7: {  	v32 =	vld.idx.msk [tilespmem:v53+s5+$0x0], $0xffff;
	v33 =	vmin.f32 v54, $1.000000000e+00;
	[tilespmem:s22+$0x380] =	vst v31;
	v31 =	vadd.s32 $0x1209, v0  }
0xe8: {  	[tilespmem:$0x1FF80] =	vst v1;
	v1 =	vmovc v27;
	v30 =	vld.idx.msk [tilespmem:v30+s5+$0x0], $0xffff;
	v35 =	vmin.f32 v55, $1.000000000e+00;
	v59 =	vmin.f32 v57, $1.000000000e+00;
	v33 =	vmul.f32 $5.120000000e+02, v33  }
0xe9: {  	[tilespmem:$0x1FFB0] =	vst v1;
	v34 =	vmin.f32 v56, $1.000000000e+00;
	v35 =	vmul.f32 $5.120000000e+02, v35;
	v28 =	vld.idx.msk [tilespmem:v28+s5+$0x0], $0xffff;
	v61 =	vmul.f32 $5.120000000e+02, v59  }
0xea: {  	s28 =	sadd.s32 $0x7080, s0;
	[tilespmem:s20+$0x380] =	vst v29;
	v34 =	vmul.f32 $5.120000000e+02, v34;
	v60 =	vld.idx.msk [tilespmem:v45+s5+$0x0], $0xffff;
	v33 =	vtrunc.f32 v33  }
0xeb: {  	s23 =	sor.u32 s11, s28;
	v1 =	vmov v25;
	v23 =	vld.idx.msk [tilespmem:v23+s5+$0x0], $0xffff;
	[tilespmem:s19+$0x0] =	vst v58;
	v25 =	vtrunc.f32 v61;
	v36 =	vcvt.f32.s32 v33  }
0xec: {  	[tilespmem:s23+$0x0] =	vst v32;
	v63 =	vld.idx.msk [tilespmem:v48+s5+$0x0], $0xffff;
	v52 =	vcvt.f32.s32 v25  }
0xed: {  	v9 =	vmov v24;
	v27 =	vtrunc.f32 v35;
	v24 =	vtrunc.f32 v34;
	v31 =	vld.idx.msk [tilespmem:v31+s5+$0x0], $0xffff;
	[tilespmem:s18+$0x380] =	vst v30  }
0xee: {  	v11 =	vmovc v51;
	s6 =	sor.u32 s2, s28;
	[tilespmem:$0x1FFF0] =	vst v1;
	v29 =	vadd.s32 $0x140A, v0;
	v27 =	vcvt.f32.s32 v27;
	v51 =	vcvt.f32.s32 v24;
	v24 =	vld.idx.msk [tilespmem:v44+s5+$0x0], $0xffff  }
0xef: {  	s24 =	sor.u32 s14, s28;
	v26 =	vld.idx.msk [tilespmem:v26+s5+$0x0], $0xffff;
	[tilespmem:s6+$0x0] =	vst v28  }
0xf0: {  	s20 =	sadd.s32 $0x7100, s0;
	[tilespmem:s24+$0x0] =	vst v23;
	v22 =	vld.idx.msk [tilespmem:v22+s5+$0x0], $0xffff  }
0xf1: {  	s22 =	sor.u32 s3, s28;
	s28 =	sor.u32 s11, s20;
	[tilespmem:s21+$0x0] =	vst v60;
	v62 =	vld.idx.msk [tilespmem:v36+s5+$0x0], $0xffff  }
0xf2: {  	[tilespmem:s28+$0x0] =	vst v31;
	v57 =	vld.idx.msk [tilespmem:v52+s5+$0x0], $0xffff  }
0xf3: {  	v1 =	vmov v21;
	v21 =	vadd.s32 $0x201, v36;
	v48 =	vld.idx.msk [tilespmem:v29+s5+$0x0], $0xffff;
	[tilespmem:s17+$0x0] =	vst v24  }
0xf4: {  	v25 =	vadd.s32 $0x201, v52;
	v24 =	vld.idx.msk [tilespmem:v27+s5+$0x0], $0xffff;
	[tilespmem:s22+$0x0] =	vst v26  }
0xf5: {  	v56 =	vadd.s32 $0x160B, v0;
	s23 =	sor.u32 s2, s20;
	[tilespmem:s29+$0x0] =	vst v63;
	s17 =	sadd.s32 $0x3080, s9;
	v50 =	vld.idx.msk [tilespmem:v51+s5+$0x0], $0xffff  }
0xf6: {  	s25 =	sor.u32 s3, s20;
	v33 =	vadd.s32 $0x201, v27;
	s24 =	sor.u32 s12, s17;
	[tilespmem:s23+$0x0] =	vst v22;
	v58 =	vld.idx.msk [tilespmem:v20+s5+$0x0], $0xffff  }
0xf7: {  	s1 =	sor.u32 s14, s20;
	s19 =	sadd.s32 $0x7180, s0;
	v44 =	vadd.s32 $0x201, v51;
	s20 =	sor.u32 s15, s17;
	[tilespmem:s24+$0x0] =	vst v62;
	v62 =	vld.idx.msk [tilespmem:v19+s5+$0x0], $0xffff  }
0xf8: {  	s23 =	sor.u32 s11, s19;
	[tilespmem:s20+$0x0] =	vst v57;
	v21 =	vld.idx.msk [tilespmem:v21+s5+$0x0], $0xffff  }
0xf9: {  	s22 =	sor.u32 s4, s17;
	[tilespmem:s23+$0x0] =	vst v48;
	v8 =	vld.idx.msk [tilespmem:v25+s5+$0x0], $0xffff  }
0xfa: {  	v2 =	vadd.s32 $0x402, v36;
	s18 =	sor.u32 s13, s17;
	[tilespmem:s22+$0x0] =	vst v24;
	v56 =	vld.idx.msk [tilespmem:v56+s5+$0x0], $0xffff  }
0xfb: {  	v3 =	vld.idx.msk [tilespmem:v33+s5+$0x0], $0xffff;
	[tilespmem:s18+$0x0] =	vst v50  }
0xfc: {  	v57 =	vadd.s32 $0x180C, v0;
	v7 =	vld.idx.msk [tilespmem:v44+s5+$0x0], $0xffff;
	[tilespmem:s25+$0x0] =	vst v58  }
0xfd: {  	v55 =	vadd.s32 $0x402, v52;
	s25 =	sadd.s32 $0x7200, s0;
	[tilespmem:s1+$0x0] =	vst v62  }
0xfe: {  	s28 =	sor.u32 s11, s25;
	[tilespmem:s24+$0x80] =	vst v21  }
0xff: {  	v2 =	vld.idx.msk [tilespmem:v2+s5+$0x0], $0xffff;
	[tilespmem:s28+$0x0] =	vst v56  }
0x100: {  	v58 =	vld.idx.msk [tilespmem:v15+s5+$0x0], $0xffff;
	[tilespmem:s22+$0x80] =	vst v3;
	v3 =	vadd.s32 $0x603, v36  }
0x101: {  	v53 =	vadd.s32 $0x402, v27;
	[tilespmem:s20+$0x80] =	vst v8;
	v62 =	vld.idx.msk [tilespmem:v57+s5+$0x0], $0xffff  }
0x102: {  	v54 =	vadd.s32 $0x402, v51;
	v59 =	vadd.s32 $0x140A, v27;
	v57 =	vld.idx.msk [tilespmem:v55+s5+$0x0], $0xffff  }
0x103: {  	[tilespmem:$0x1FFD0] =	vst v49;
	v49 =	vadd.s32 $0x603, v52;
	v15 =	vmov v59;
	v59 =	vld.idx.msk [tilespmem:v18+s5+$0x0], $0xffff  }
0x104: {  	v8 =	vadd.s32 $0x1A0D, v0;
	[tilespmem:s24+$0x100] =	vst v2;
	v2 =	vld.idx.msk [tilespmem:v17+s5+$0x0], $0xffff  }
0x105: {  	s7 =	sadd.s32 $0x7280, s0;
	s21 =	sor.u32 s2, s19;
	[tilespmem:s18+$0x80] =	vst v7;
	v3 =	vld.idx.msk [tilespmem:v3+s5+$0x0], $0xffff  }
0x106: {  	s6 =	sor.u32 s14, s19;
	s17 =	sor.u32 s3, s19;
	s10 =	sor.u32 s2, s25;
	v53 =	vld.idx.msk [tilespmem:v53+s5+$0x0], $0xffff;
	[tilespmem:s21+$0x0] =	vst v58  }
0x107: {  	s23 =	sor.u32 s3, s25;
	s19 =	sor.u32 s14, s25;
	s25 =	sor.u32 s11, s7;
	v7 =	vld.idx.msk [tilespmem:v54+s5+$0x0], $0xffff;
	[tilespmem:s20+$0x100] =	vst v57  }
0x108: {  	v47 =	vadd.s32 $0x603, v51;
	[tilespmem:s25+$0x0] =	vst v62;
	v49 =	vld.idx.msk [tilespmem:v49+s5+$0x0], $0xffff  }
0x109: {  	v43 =	vadd.s32 $0x804, v52;
	v8 =	vld.idx.msk [tilespmem:v8+s5+$0x0], $0xffff;
	[tilespmem:s6+$0x0] =	vst v2  }
0x10a: {  	[tilespmem:s24+$0x180] =	vst v3;
	v3 =	vld.idx.msk [tilespmem:v16+s5+$0x0], $0xffff  }
0x10b: {  	[tilespmem:s17+$0x0] =	vst v59  }
0x10c: {  	v59 =	vld.idx.msk [tilespmem:v13+s5+$0x0], $0xffff;
	[tilespmem:s18+$0x100] =	vst v7  }
0x10d: {  	v63 =	vadd.s32 $0x160B, v27;
	v7 =	vld.idx.msk [tilespmem:v47+s5+$0x0], $0xffff;
	[tilespmem:s20+$0x180] =	vst v49  }
0x10e: {  	v13 =	vmov v63;
	v63 =	vld.idx.msk [tilespmem:v43+s5+$0x0], $0xffff  }
0x10f: {  	v45 =	vadd.s32 $0x603, v27;
	[tilespmem:s19+$0x0] =	vst v3;
	v3 =	vld [tilespmem:$0x1FF90]  }
0x110: {  	v41 =	vadd.s32 $0x804, v51  }
0x111: {  	v2 =	vld.idx.msk [tilespmem:v14+s5+$0x0], $0xffff  }
0x112: {  	v60 =	vadd.s32 $0x140A, v51  }
0x113: {  	v18 =	vmov v60;
	v60 =	vadd.s32 $0x804, v36;
	[tilespmem:s22+$0x100] =	vst v53  }
0x114: {  	v45 =	vld.idx.msk [tilespmem:v45+s5+$0x0], $0xffff;
	[tilespmem:s18+$0x180] =	vst v7  }
0x115: {  	v42 =	vadd.s32 $0x804, v27;
	v7 =	vld.idx.msk [tilespmem:v41+s5+$0x0], $0xffff  }
0x116: {  	v40 =	vadd.s32 $0xA05, v51;
	v47 =	vld [tilespmem:$0x1FF80];
	[tilespmem:s23+$0x0] =	vst v2  }
0x117: {  	[tilespmem:$0x1FFE0] =	vst v1;
	v46 =	vadd.s32 $0x1209, v52;
	v61 =	vadd.s32 $0x140A, v52;
	v1 =	vadd.s32 $0x160B, v51;
	v3 =	vld.idx.msk [tilespmem:v3+s5+$0x0], $0xffff  }
0x118: {  	v19 =	vmovc v46;
	v46 =	vadd.s32 $0x1A0D, v27;
	v17 =	vmovc v61;
	v61 =	vadd.s32 $0x1C0E, v0;
	[tilespmem:s10+$0x0] =	vst v59;
	v14 =	vmov v1;
	v1 =	vld.idx.msk [tilespmem:v60+s5+$0x0], $0xffff  }
0x119: {  	s28 =	sor.u32 s14, s7;
	s6 =	sadd.s32 $0x7300, s0;
	[tilespmem:s22+$0x180] =	vst v45;
	v45 =	vmov v9;
	v9 =	vmov v46;
	v46 =	vld [tilespmem:$0x1FFB0]  }
0x11a: {  	v6 =	vadd.s32 $0x160B, v52;
	s21 =	sor.u32 s2, s7;
	s17 =	sor.u32 s3, s7;
	s7 =	sor.u32 s11, s6;
	v42 =	vld.idx.msk [tilespmem:v42+s5+$0x0], $0xffff;
	[tilespmem:s18+$0x200] =	vst v7  }
0x11b: {  	v16 =	vmov v6;
	v6 =	vadd.s32 $0xA05, v36;
	[tilespmem:s7+$0x0] =	vst v8;
	v7 =	vld.idx.msk [tilespmem:v40+s5+$0x0], $0xffff  }
0x11c: {  	v38 =	vadd.s32 $0xA05, v27;
	[tilespmem:s17+$0x0] =	vst v3;
	v3 =	vld [tilespmem:$0x1FFA0]  }
0x11d: {  	v39 =	vadd.s32 $0xA05, v52;
	v8 =	vld.idx.msk [tilespmem:v61+s5+$0x0], $0xffff  }
0x11e: {  	v48 =	vadd.s32 $0x1A0D, v51;
	[tilespmem:s24+$0x200] =	vst v1;
	v1 =	vld.idx.msk [tilespmem:v11+s5+$0x0], $0xffff  }
0x11f: {  	v37 =	vadd.s32 $0xC06, v51;
	v49 =	vmov v48;
	v48 =	vld [tilespmem:$0x1FFE0]  }
0x120: {  	v30 =	vadd.s32 $0xE07, v51;
	v4 =	vadd.s32 $0x180C, v27;
	v5 =	vadd.s32 $0x180C, v51;
	s7 =	sadd.s32 $0x7380, s0;
	v2 =	vld.idx.msk [tilespmem:v6+s5+$0x0], $0xffff;
	[tilespmem:s22+$0x200] =	vst v42  }
0x121: {  	v26 =	vadd.s32 $0x1008, v51;
	v20 =	vadd.s32 $0x1209, v51;
	v62 =	vadd.s32 $0x1E0F, v0;
	v0 =	vmovc v36;
	s29 =	sor.u32 s11, s7;
	[tilespmem:s20+$0x200] =	vst v63;
	v6 =	vld.idx.msk [tilespmem:v38+s5+$0x0], $0xffff  }
0x122: {  	v25 =	vadd.s32 $0x1E0F, v51;
	v33 =	vadd.s32 $0x1C0E, v51;
	v51 =	vmovc v4;
	v4 =	vadd.s32 $0xC06, v0;
	[tilespmem:s29+$0x0] =	vst v8;
	v8 =	vld.idx.msk [tilespmem:v39+s5+$0x0], $0xffff  }
0x123: {  	v35 =	vadd.s32 $0xC06, v52;
	[tilespmem:s21+$0x0] =	vst v1;
	v1 =	vld.idx.msk [tilespmem:v12+s5+$0x0], $0xffff  }
0x124: {  	v38 =	vld.idx.msk [tilespmem:v3+s5+$0x0], $0xffff  }
0x125: {  	v34 =	vadd.s32 $0xC06, v27;
	v3 =	vld [tilespmem:$0x1FFD0]  }
0x126: {  	v11 =	vmov v5;
	v5 =	vld.idx.msk [tilespmem:v62+s5+$0x0], $0xffff;
	[tilespmem:s24+$0x280] =	vst v2  }
0x127: {  	s26 =	sadd.s32 $0x4, s26;
	v2 =	vld.idx.msk [tilespmem:v4+s5+$0x0], $0xffff;
	[tilespmem:s20+$0x280] =	vst v8  }
0x128: {  	p1 =	slt.u32 s26, $0x7C;
	s25 =	sor.u32 s2, s6;
	s10 =	sor.u32 s3, s6;
	v35 =	vld.idx.msk [tilespmem:v35+s5+$0x0], $0xffff  }
0x129: {  	s1 =	sor.u32 s14, s6;
	s6 =	sor.u32 s3, s7;
	s23 =	sor.u32 s2, s7;
	[tilespmem:s22+$0x280] =	vst v6;
	v6 =	vld [tilespmem:$0x1FFC0]  }
.Ltmp0:
0x12a: {  	s19 =	sor.u32 s14, s7;
	s7 =	sadd.s32 $0x7400, s0;
	[tilespmem:s28+$0x0] =	vst v1;
	v39 =	vld.idx.msk [tilespmem:v34+s5+$0x0], $0xffff;
	(pc) =	sbr.rel @p1 .LBB2_3-.Ltmp0, $4  }
0x12b: {  	v28 =	vadd.s32 $0x1008, v27;
	v23 =	vadd.s32 $0x1008, v52;
	v44 =	vadd.s32 $0x1A0D, v52;
	s11 =	sor.u32 s11, s7;
	v34 =	vld.idx.msk [tilespmem:v10+s5+$0x0], $0xffff  }
0x12c: {  	s8 =	sadd.s32 $0x200, s8;
	v32 =	vadd.s32 $0x1C0E, v27;
	v31 =	vadd.s32 $0xE07, v27;
	v29 =	vadd.s32 $0xE07, v52;
	s0 =	smov.u32 s9;
	s29 =	sor.u32 s14, s7;
	[tilespmem:s11+$0x0] =	vst v5;
	v10 =	vmovc v44;
	v44 =	vld [tilespmem:$0x1FFF0]  }
0x12d: {  	v22 =	vadd.s32 $0x1209, v27;
	v24 =	vadd.s32 $0x1E0F, v27;
	v50 =	vadd.s32 $0x180C, v52;
	s14 =	smov.u32 s15;
	s21 =	sor.u32 s2, s7;
	s2 =	smov.u32 s4;
	v36 =	vld.idx.msk [tilespmem:v3+s5+$0x0], $0xffff;
	[tilespmem:s18+$0x280] =	vst v7  }
0x12e: {  	v27 =	vadd.s32 $0x1C0E, v52;
	v21 =	vadd.s32 $0x1E0F, v52;
	v12 =	vmovc v50;
	s11 =	smov.u32 s12;
	v40 =	vadd.s32 $0xE07, v0;
	s17 =	sor.u32 s3, s7;
	s3 =	smov.u32 s13;
	[tilespmem:s24+$0x300] =	vst v2;
	v37 =	vld.idx.msk [tilespmem:v37+s5+$0x0], $0xffff  }
0x12f: {  	_ =	sdelay $0x3  }
0x130: {  	v1 =	vld.idx.msk [tilespmem:v40+s5+$0x0], $0xffff;
	[tilespmem:s22+$0x300] =	vst v39  }
0x131: {  	v2 =	vadd.s32 $0x1008, v0;
	[tilespmem:s20+$0x300] =	vst v35;
	v3 =	vld.idx.msk [tilespmem:v31+s5+$0x0], $0xffff  }
0x132: {  	v5 =	vld.idx.msk [tilespmem:v29+s5+$0x0], $0xffff;
	[tilespmem:s18+$0x300] =	vst v37  }
0x133: {  	v4 =	vld.idx.msk [tilespmem:v30+s5+$0x0], $0xffff;
	_ =	sdelay $0x1  }
0x134: {  	[tilespmem:s24+$0x380] =	vst v1  }
0x135: {  	v1 =	vld.idx.msk [tilespmem:v2+s5+$0x0], $0xffff;
	[tilespmem:s22+$0x380] =	vst v3  }
0x136: {  	v2 =	vadd.s32 $0x1209, v0;
	[tilespmem:s20+$0x380] =	vst v5;
	v3 =	vld.idx.msk [tilespmem:v28+s5+$0x0], $0xffff  }
0x137: {  	v5 =	vld.idx.msk [tilespmem:v23+s5+$0x0], $0xffff;
	[tilespmem:s18+$0x380] =	vst v4  }
0x138: {  	s4 =	sadd.s32 $0x7080, s0;
	v4 =	vld.idx.msk [tilespmem:v26+s5+$0x0], $0xffff  }
0x139: {  	s7 =	sor.u32 s11, s4  }
0x13a: {  	s8 =	sor.u32 s2, s4;
	[tilespmem:s7+$0x0] =	vst v1  }
0x13b: {  	s15 =	sor.u32 s3, s4;
	s4 =	sor.u32 s14, s4;
	v1 =	vld.idx.msk [tilespmem:v2+s5+$0x0], $0xffff;
	[tilespmem:s8+$0x0] =	vst v3  }
0x13c: {  	v2 =	vadd.s32 $0x140A, v0;
	[tilespmem:s4+$0x0] =	vst v5;
	v3 =	vld.idx.msk [tilespmem:v22+s5+$0x0], $0xffff  }
0x13d: {  	v5 =	vld.idx.msk [tilespmem:v19+s5+$0x0], $0xffff;
	[tilespmem:s15+$0x0] =	vst v4  }
0x13e: {  	s16 =	sadd.s32 $0x7100, s0;
	v4 =	vld.idx.msk [tilespmem:v20+s5+$0x0], $0xffff  }
0x13f: {  	s18 =	sor.u32 s11, s16  }
0x140: {  	s20 =	sor.u32 s2, s16;
	[tilespmem:s18+$0x0] =	vst v1  }
0x141: {  	s4 =	sor.u32 s14, s16;
	v1 =	vld.idx.msk [tilespmem:v2+s5+$0x0], $0xffff;
	[tilespmem:s20+$0x0] =	vst v3  }
0x142: {  	s22 =	sor.u32 s3, s16;
	v2 =	vadd.s32 $0x160B, v0;
	[tilespmem:s4+$0x0] =	vst v5;
	v3 =	vld.idx.msk [tilespmem:v15+s5+$0x0], $0xffff  }
0x143: {  	v5 =	vld.idx.msk [tilespmem:v17+s5+$0x0], $0xffff;
	[tilespmem:s22+$0x0] =	vst v4  }
0x144: {  	s24 =	sadd.s32 $0x7180, s0;
	v4 =	vld.idx.msk [tilespmem:v18+s5+$0x0], $0xffff  }
0x145: {  	s26 =	sor.u32 s11, s24  }
0x146: {  	s28 =	sor.u32 s2, s24;
	[tilespmem:s26+$0x0] =	vst v1  }
0x147: {  	s4 =	sor.u32 s14, s24;
	v1 =	vld.idx.msk [tilespmem:v2+s5+$0x0], $0xffff;
	[tilespmem:s28+$0x0] =	vst v3  }
0x148: {  	s9 =	sor.u32 s3, s24;
	v2 =	vadd.s32 $0x180C, v0;
	[tilespmem:s4+$0x0] =	vst v5;
	v3 =	vld.idx.msk [tilespmem:v13+s5+$0x0], $0xffff  }
0x149: {  	v5 =	vld.idx.msk [tilespmem:v16+s5+$0x0], $0xffff;
	[tilespmem:s9+$0x0] =	vst v4  }
0x14a: {  	s12 =	sadd.s32 $0x7200, s0;
	v4 =	vld.idx.msk [tilespmem:v14+s5+$0x0], $0xffff  }
0x14b: {  	[tilespmem:s25+$0x0] =	vst v38;
	s13 =	sor.u32 s11, s12  }
0x14c: {  	s15 =	sor.u32 s2, s12;
	[tilespmem:s13+$0x0] =	vst v1  }
0x14d: {  	s4 =	sor.u32 s14, s12;
	v1 =	vld.idx.msk [tilespmem:v2+s5+$0x0], $0xffff;
	[tilespmem:s15+$0x0] =	vst v3  }
0x14e: {  	s16 =	sor.u32 s3, s12;
	v2 =	vadd.s32 $0x1A0D, v0;
	[tilespmem:s4+$0x0] =	vst v5;
	v3 =	vld.idx.msk [tilespmem:v51+s5+$0x0], $0xffff  }
0x14f: {  	v5 =	vld.idx.msk [tilespmem:v12+s5+$0x0], $0xffff;
	[tilespmem:s16+$0x0] =	vst v4  }
0x150: {  	[tilespmem:s1+$0x0] =	vst v34;
	s18 =	sadd.s32 $0x7280, s0;
	v4 =	vld.idx.msk [tilespmem:v11+s5+$0x0], $0xffff  }
0x151: {  	v6 =	vld.idx.msk [tilespmem:v6+s5+$0x0], $0xffff;
	[tilespmem:s10+$0x0] =	vst v36;
	s20 =	sor.u32 s11, s18  }
0x152: {  	v7 =	vld.idx.msk [tilespmem:v47+s5+$0x0], $0xffff;
	s22 =	sor.u32 s2, s18;
	[tilespmem:s20+$0x0] =	vst v1  }
0x153: {  	s4 =	sor.u32 s14, s18;
	v1 =	vld.idx.msk [tilespmem:v2+s5+$0x0], $0xffff;
	[tilespmem:s22+$0x0] =	vst v3  }
0x154: {  	s24 =	sor.u32 s3, s18;
	v2 =	vadd.s32 $0x1C0E, v0;
	[tilespmem:s4+$0x0] =	vst v5;
	v3 =	vld.idx.msk [tilespmem:v9+s5+$0x0], $0xffff  }
0x155: {  	v5 =	vld.idx.msk [tilespmem:v10+s5+$0x0], $0xffff;
	[tilespmem:s24+$0x0] =	vst v4  }
0x156: {  	s25 =	sadd.s32 $0x7300, s0;
	[tilespmem:s23+$0x0] =	vst v6;
	v4 =	vld.idx.msk [tilespmem:v49+s5+$0x0], $0xffff  }
0x157: {  	v6 =	vld.idx.msk [tilespmem:v46+s5+$0x0], $0xffff;
	[tilespmem:s6+$0x0] =	vst v7;
	s26 =	sor.u32 s11, s25  }
0x158: {  	v7 =	vld.idx.msk [tilespmem:v45+s5+$0x0], $0xffff;
	s28 =	sor.u32 s2, s25;
	[tilespmem:s26+$0x0] =	vst v1  }
0x159: {  	s1 =	sor.u32 s14, s25;
	v1 =	vld.idx.msk [tilespmem:v2+s5+$0x0], $0xffff;
	[tilespmem:s28+$0x0] =	vst v3  }
0x15a: {  	s7 =	sor.u32 s3, s25;
	v0 =	vadd.s32 $0x1E0F, v0;
	[tilespmem:s1+$0x0] =	vst v5;
	v2 =	vld.idx.msk [tilespmem:v32+s5+$0x0], $0xffff  }
0x15b: {  	[tilespmem:s7+$0x0] =	vst v4;
	v4 =	vld.idx.msk [tilespmem:v27+s5+$0x0], $0xffff  }
0x15c: {  	[tilespmem:s19+$0x0] =	vst v6;
	s8 =	sadd.s32 $0x7380, s0;
	v3 =	vld.idx.msk [tilespmem:v33+s5+$0x0], $0xffff  }
0x15d: {  	v6 =	vld.idx.msk [tilespmem:v48+s5+$0x0], $0xffff;
	[tilespmem:s21+$0x0] =	vst v7;
	s9 =	sor.u32 s11, s8  }
0x15e: {  	s10 =	sor.u32 s2, s8;
	v5 =	vld.idx.msk [tilespmem:v44+s5+$0x0], $0xffff;
	[tilespmem:s9+$0x0] =	vst v1  }
0x15f: {  	s1 =	sor.u32 s14, s8;
	v0 =	vld.idx.msk [tilespmem:v0+s5+$0x0], $0xffff;
	[tilespmem:s10+$0x0] =	vst v2  }
0x160: {  	s12 =	sor.u32 s3, s8;
	v1 =	vld.idx.msk [tilespmem:v24+s5+$0x0], $0xffff;
	[tilespmem:s1+$0x0] =	vst v4  }
0x161: {  	[tilespmem:s12+$0x0] =	vst v3;
	v3 =	vld.idx.msk [tilespmem:v21+s5+$0x0], $0xffff  }
0x162: {  	[tilespmem:s29+$0x0] =	vst v6;
	s13 =	sadd.s32 $0x7400, s0;
	v2 =	vld.idx.msk [tilespmem:v25+s5+$0x0], $0xffff  }
0x163: {  	s15 =	sor.u32 s11, s13;
	[tilespmem:s17+$0x0] =	vst v5  }
0x164: {  	s16 =	sor.u32 s2, s13;
	[tilespmem:s15+$0x0] =	vst v0  }
0x165: {  	s18 =	sor.u32 s14, s13;
	[tilespmem:s16+$0x0] =	vst v1  }
0x166: {  	s19 =	rddreg [dreg:$0x2];
	s0 =	sshll.u32 s31, $0xC;
	s17 =	sor.u32 s3, s13;
	[tilespmem:s18+$0x0] =	vst v3  }
0x167: {  	s20 =	simm.s32 $0x3080;
	s1 =	sadd.s32 s19, s0;
	[tilespmem:s17+$0x0] =	vst v2  }
0x168: {  	[hbm4b:s1+s5] =	stream.linear.scatter [tilespmem:s20], [sflag:$0x3], $0x8000, $0x38;
	[tilespmem:$0x13080] =	vst v63  }
0x169: {  	s21 =	sadd.s32 $0x2, s31;
	s22 =	rddreg [dreg:$0x5]  }
0x16a: {  	s1 =	smin.u32 s21, s22  }
0x16b: {  	s2 =	sshll.u32 s1, $0x4  }
0x16c: {  	s23 =	rddreg [dreg:$0x0];
	s1 =	sshll.u32 s1, $0x8;
	s2 =	sand.u32 $0x70, s2  }
0x16d: {  	s1 =	sand.u32 $0x7F800, s1;
	s2 =	sadd.s32 s23, s2  }
0x16e: {  	s24 =	simm.s32 $0x2080;
	s1 =	sadd.s32 s1, s2  }
0x16f: {  	[tilespmem:s24], [sflag:$0x1] =	stream.linear.gather [hbm4b:s1+s5], $0x80, $0x38;
	[tilespmem:$0x13080] =	vst v63  }
0x170: {  	s26 =	simm.s32 $0x2180;
	s25 =	sadd.s32 $0x80, s1  }
0x171: {  	[tilespmem:s26], [sflag:$0x1] =	stream.linear.gather [hbm4b:s25+s5], $0x80, $0x38;
	[tilespmem:$0x13080] =	vst v63  }
0x172: {  	s29 =	simm.s32 $0x2280;
	s28 =	sadd.s32 $0x100, s1  }
0x173: {  	[tilespmem:s29], [sflag:$0x1] =	stream.linear.gather [hbm4b:s28+s5], $0x80, $0x38;
	[tilespmem:$0x13080] =	vst v63  }
0x174: {  	s4 =	simm.s32 $0x2380;
	s3 =	sadd.s32 $0x180, s1  }
0x175: {  	[tilespmem:s4], [sflag:$0x1] =	stream.linear.gather [hbm4b:s3+s5], $0x80, $0x38;
	[tilespmem:$0x13080] =	vst v63  }
0x176: {  	s7 =	simm.s32 $0x2480;
	s6 =	sadd.s32 $0x200, s1  }
0x177: {  	[tilespmem:s7], [sflag:$0x1] =	stream.linear.gather [hbm4b:s6+s5], $0x80, $0x38;
	[tilespmem:$0x13080] =	vst v63  }
0x178: {  	s9 =	simm.s32 $0x2580;
	s8 =	sadd.s32 $0x280, s1  }
0x179: {  	[tilespmem:s9], [sflag:$0x1] =	stream.linear.gather [hbm4b:s8+s5], $0x80, $0x38;
	[tilespmem:$0x13080] =	vst v63  }
0x17a: {  	s11 =	simm.s32 $0x2680;
	s10 =	sadd.s32 $0x300, s1  }
0x17b: {  	[tilespmem:s11], [sflag:$0x1] =	stream.linear.gather [hbm4b:s10+s5], $0x80, $0x38;
	[tilespmem:$0x13080] =	vst v63  }
0x17c: {  	s13 =	simm.s32 $0x2780;
	s12 =	sadd.s32 $0x380, s1  }
0x17d: {  	[tilespmem:s13], [sflag:$0x1] =	stream.linear.gather [hbm4b:s12+s5], $0x80, $0x38;
	[tilespmem:$0x13080] =	vst v63  }
0x17e: {  	s15 =	simm.s32 $0x2880;
	s14 =	sadd.s32 $0x400, s1  }
0x17f: {  	[tilespmem:s15], [sflag:$0x1] =	stream.linear.gather [hbm4b:s14+s5], $0x80, $0x38;
	[tilespmem:$0x13080] =	vst v63  }
0x180: {  	s17 =	simm.s32 $0x2980;
	s16 =	sadd.s32 $0x480, s1  }
0x181: {  	[tilespmem:s17], [sflag:$0x1] =	stream.linear.gather [hbm4b:s16+s5], $0x80, $0x38;
	[tilespmem:$0x13080] =	vst v63  }
0x182: {  	s19 =	simm.s32 $0x2A80;
	s18 =	sadd.s32 $0x500, s1  }
0x183: {  	[tilespmem:s19], [sflag:$0x1] =	stream.linear.gather [hbm4b:s18+s5], $0x80, $0x38;
	[tilespmem:$0x13080] =	vst v63  }
0x184: {  	s21 =	simm.s32 $0x2B80;
	s20 =	sadd.s32 $0x580, s1  }
0x185: {  	[tilespmem:s21], [sflag:$0x1] =	stream.linear.gather [hbm4b:s20+s5], $0x80, $0x38;
	[tilespmem:$0x13080] =	vst v63  }
0x186: {  	s23 =	simm.s32 $0x2C80;
	s22 =	sadd.s32 $0x600, s1  }
0x187: {  	[tilespmem:s23], [sflag:$0x1] =	stream.linear.gather [hbm4b:s22+s5], $0x80, $0x38;
	[tilespmem:$0x13080] =	vst v63  }
0x188: {  	s24 =	sadd.s32 $0x680, s1;
	s25 =	simm.s32 $0x2D80  }
0x189: {  	[tilespmem:s25], [sflag:$0x1] =	stream.linear.gather [hbm4b:s24+s5], $0x80, $0x38;
	[tilespmem:$0x13080] =	vst v63  }
0x18a: {  	s26 =	sadd.s32 $0x700, s1;
	s28 =	simm.s32 $0x2E80  }
0x18b: {  	[tilespmem:s28], [sflag:$0x1] =	stream.linear.gather [hbm4b:s26+s5], $0x80, $0x38;
	[tilespmem:$0x13080] =	vst v63  }
0x18c: {  	s1 =	sadd.s32 $0x780, s1;
	s29 =	simm.s32 $0x2F80  }
0x18d: {  	[tilespmem:s29], [sflag:$0x1] =	stream.linear.gather [hbm4b:s1+s5], $0x80, $0x38;
	[tilespmem:$0x13080] =	vst v63  }
0x18e: {  	s1 =	simm.s32 $0x2  }
0x18f: {  	_ =	swait.ge [sflag:s1], $0x800  }
0x190: {  	s3 =	simm.s32 $0x0;
	[sflag:s1] =	ssyncset.done $0x0  }
0x191: {  	s2 =	simm.s32 @!p0 $0x4;
	s20 =	sand.u32 $0x3C00, s3;
	[sflag:s1] =	ssyncadd.s32 $0xFFFFF800  }
0x192: {  	s4 =	sshrl.u32 s20, $0x2;
	s22 =	sand.u32 $0x40, s3;
	_ =	swait.ge @!p0 [sflag:s2], $0x8000  }
0x193: {  	s29 =	sor.u32 $0x30, s22;
	s1 =	sor.u32 $0x2080, s4;
	[sflag:s2] =	ssyncset.done @!p0 $0x0  }
0x194: {  	s6 =	sor.u32 s29, s1;
	[sflag:s2] =	ssyncadd.s32 @!p0 $0xFFFF8000  }
0x195: {  	v0 =	vld [tilespmem:s6+$0x80]  }
0x196: {  	s7 =	sor.u32 s22, s1  }
0x197: {  	v1 =	vld [tilespmem:s7+$0x80]  }
0x198: {  	s26 =	sor.u32 $0x10, s22  }
0x199: {  	s8 =	sor.u32 s26, s1  }
0x19a: {  	s24 =	sor.u32 $0x20, s22;
	v2 =	vld [tilespmem:s8+$0x80];
	v0 =	vmin.f32 v0, $1.000000000e+00  }
0x19b: {  	s1 =	sor.u32 s24, s1;
	v0 =	vmul.f32 $5.120000000e+02, v0  }
0x19c: {  	v4 =	vld [tilespmem:s1+$0x80];
	v1 =	vmin.f32 v1, $1.000000000e+00  }
0x19d: {  	v1 =	vmul.f32 $5.120000000e+02, v1;
	v0 =	vtrunc.f32 v0  }
0x19e: {  	v3 =	vcvt.f32.s32 v0  }
0x19f: {  	v1 =	vtrunc.f32 v1;
	v0 =	vmin.f32 v2, $1.000000000e+00  }
0x1a0: {  	v2 =	vcvt.f32.s32 v1;
	v0 =	vmul.f32 $5.120000000e+02, v0  }
0x1a1: {  	v1 =	vmin.f32 v4, $1.000000000e+00  }
0x1a2: {  	v4 =	vmul.f32 $5.120000000e+02, v1;
	v0 =	vtrunc.f32 v0  }
0x1a3: {  	v1 =	vcvt.f32.s32 v0  }
0x1a4: {  	v0 =	vtrunc.f32 v4;
	v4 =	vld.idx.msk [tilespmem:v3+s5+$0x0], $0xffff  }
0x1a5: {  	v7 =	vcvt.f32.s32 v0;
	v0 =	vadd.s32 $0x201, v3  }
0x1a6: {  	v5 =	vld.idx.msk [tilespmem:v2+s5+$0x0], $0xffff  }
0x1a7: {  	s9 =	sadd.s32 $0xB080, s20;
	v6 =	vadd.s32 $0x201, v2  }
0x1a8: {  	s10 =	sor.u32 s29, s9  }
0x1a9: {  	v8 =	vld.idx.msk [tilespmem:v1+s5+$0x0], $0xffff;
	[tilespmem:s10+$0x0] =	vst v4  }
0x1aa: {  	s11 =	sor.u32 s22, s9;
	v4 =	vadd.s32 $0x201, v1;
	v0 =	vld.idx.msk [tilespmem:v0+s5+$0x0], $0xffff  }
0x1ab: {  	v9 =	vld.idx.msk [tilespmem:v7+s5+$0x0], $0xffff;
	[tilespmem:s11+$0x0] =	vst v5;
	v5 =	vadd.s32 $0x402, v3  }
0x1ac: {  	v10 =	vadd.s32 $0x201, v7;
	v6 =	vld.idx.msk [tilespmem:v6+s5+$0x0], $0xffff  }
0x1ad: {  	s13 =	sadd.s32 $0xB100, s20;
	s12 =	sor.u32 s26, s9;
	v11 =	vadd.s32 $0x402, v2  }
0x1ae: {  	s14 =	sor.u32 s29, s13;
	[tilespmem:s12+$0x0] =	vst v8  }
0x1af: {  	s1 =	sor.u32 s24, s9;
	v4 =	vld.idx.msk [tilespmem:v4+s5+$0x0], $0xffff;
	[tilespmem:s14+$0x0] =	vst v0  }
0x1b0: {  	s15 =	sor.u32 s22, s13;
	[tilespmem:s1+$0x0] =	vst v9;
	v0 =	vadd.s32 $0x402, v1;
	v5 =	vld.idx.msk [tilespmem:v5+s5+$0x0], $0xffff  }
0x1b1: {  	v8 =	vld.idx.msk [tilespmem:v10+s5+$0x0], $0xffff;
	[tilespmem:s15+$0x0] =	vst v6;
	v6 =	vadd.s32 $0x603, v3  }
0x1b2: {  	v9 =	vadd.s32 $0x402, v7;
	v10 =	vld.idx.msk [tilespmem:v11+s5+$0x0], $0xffff  }
0x1b3: {  	s17 =	sadd.s32 $0xB180, s20;
	s16 =	sor.u32 s26, s13;
	v11 =	vadd.s32 $0x603, v2  }
0x1b4: {  	s18 =	sor.u32 s29, s17;
	[tilespmem:s16+$0x0] =	vst v4  }
0x1b5: {  	s3 =	sor.u32 s24, s13;
	v0 =	vld.idx.msk [tilespmem:v0+s5+$0x0], $0xffff;
	[tilespmem:s18+$0x0] =	vst v5  }
0x1b6: {  	s19 =	sor.u32 s22, s17;
	v4 =	vadd.s32 $0x603, v1;
	[tilespmem:s3+$0x0] =	vst v8;
	v5 =	vld.idx.msk [tilespmem:v6+s5+$0x0], $0xffff  }
0x1b7: {  	v8 =	vadd.s32 $0x804, v3;
	[tilespmem:s19+$0x0] =	vst v10;
	v6 =	vld.idx.msk [tilespmem:v9+s5+$0x0], $0xffff  }
0x1b8: {  	v9 =	vadd.s32 $0x603, v7;
	v10 =	vld.idx.msk [tilespmem:v11+s5+$0x0], $0xffff  }
0x1b9: {  	s23 =	sadd.s32 $0xB200, s20;
	s21 =	sor.u32 s26, s17;
	v11 =	vadd.s32 $0x804, v2  }
0x1ba: {  	s25 =	sor.u32 s29, s23;
	[tilespmem:s21+$0x0] =	vst v0  }
0x1bb: {  	s2 =	sor.u32 s24, s17;
	v0 =	vld.idx.msk [tilespmem:v4+s5+$0x0], $0xffff;
	[tilespmem:s25+$0x0] =	vst v5  }
0x1bc: {  	s28 =	sor.u32 s22, s23;
	v4 =	vadd.s32 $0x804, v1;
	[tilespmem:s2+$0x0] =	vst v6;
	v5 =	vld.idx.msk [tilespmem:v8+s5+$0x0], $0xffff  }
0x1bd: {  	[tilespmem:s28+$0x0] =	vst v10;
	v6 =	vld.idx.msk [tilespmem:v9+s5+$0x0], $0xffff;
	v8 =	vadd.s32 $0xA05, v3  }
0x1be: {  	v9 =	vadd.s32 $0x804, v7;
	v10 =	vld.idx.msk [tilespmem:v11+s5+$0x0], $0xffff  }
0x1bf: {  	s4 =	sadd.s32 $0xB280, s20;
	s2 =	sor.u32 s26, s23;
	v11 =	vadd.s32 $0xA05, v2  }
0x1c0: {  	s6 =	sor.u32 s29, s4;
	[tilespmem:s2+$0x0] =	vst v0  }
0x1c1: {  	s3 =	sor.u32 s24, s23;
	v0 =	vld.idx.msk [tilespmem:v4+s5+$0x0], $0xffff;
	[tilespmem:s6+$0x0] =	vst v5  }
0x1c2: {  	s7 =	sor.u32 s22, s4;
	v4 =	vadd.s32 $0xA05, v1;
	[tilespmem:s3+$0x0] =	vst v6;
	v5 =	vld.idx.msk [tilespmem:v8+s5+$0x0], $0xffff  }
0x1c3: {  	[tilespmem:s7+$0x0] =	vst v10;
	v6 =	vld.idx.msk [tilespmem:v9+s5+$0x0], $0xffff;
	v8 =	vadd.s32 $0xC06, v3  }
0x1c4: {  	v9 =	vadd.s32 $0xA05, v7;
	v10 =	vld.idx.msk [tilespmem:v11+s5+$0x0], $0xffff  }
0x1c5: {  	s8 =	sor.u32 s26, s4;
	s9 =	sadd.s32 $0xB300, s20;
	v11 =	vadd.s32 $0xC06, v2  }
0x1c6: {  	s10 =	sor.u32 s29, s9;
	[tilespmem:s8+$0x0] =	vst v0  }
0x1c7: {  	s2 =	sor.u32 s24, s4;
	v0 =	vld.idx.msk [tilespmem:v4+s5+$0x0], $0xffff;
	[tilespmem:s10+$0x0] =	vst v5  }
0x1c8: {  	s11 =	sor.u32 s22, s9;
	v4 =	vadd.s32 $0xC06, v1;
	[tilespmem:s2+$0x0] =	vst v6;
	v5 =	vld.idx.msk [tilespmem:v8+s5+$0x0], $0xffff  }
0x1c9: {  	[tilespmem:s11+$0x0] =	vst v10;
	v6 =	vld.idx.msk [tilespmem:v9+s5+$0x0], $0xffff;
	v8 =	vadd.s32 $0xE07, v3  }
0x1ca: {  	v9 =	vadd.s32 $0xC06, v7;
	v10 =	vld.idx.msk [tilespmem:v11+s5+$0x0], $0xffff  }
0x1cb: {  	s13 =	sadd.s32 $0xB380, s20;
	s12 =	sor.u32 s26, s9;
	v11 =	vadd.s32 $0xE07, v2  }
0x1cc: {  	s14 =	sor.u32 s29, s13;
	s15 =	simm.s32 $0x200;
	[tilespmem:s12+$0x0] =	vst v0  }
0x1cd: {  	s18 =	simm.s32 $0x40;
	s3 =	sor.u32 s24, s9;
	s2 =	sand.u32 $0x3C00, s15;
	v0 =	vld.idx.msk [tilespmem:v4+s5+$0x0], $0xffff;
	[tilespmem:s14+$0x0] =	vst v5  }
0x1ce: {  	s16 =	sor.u32 s22, s13;
	s17 =	sshrl.u32 s2, $0x2;
	[tilespmem:s3+$0x0] =	vst v6;
	s3 =	sand.u32 $0x40, s18;
	v4 =	vld.idx.msk [tilespmem:v8+s5+$0x0], $0xffff  }
0x1cf: {  	s6 =	sor.u32 $0x2080, s17;
	[tilespmem:s16+$0x0] =	vst v10;
	v5 =	vld.idx.msk [tilespmem:v9+s5+$0x0], $0xffff;
	s14 =	sor.u32 $0x30, s3  }
0x1d0: {  	v6 =	vadd.s32 $0x1008, v3;
	v8 =	vld.idx.msk [tilespmem:v11+s5+$0x0], $0xffff;
	s19 =	sor.u32 s14, s6  }
0x1d1: {  	s11 =	sor.u32 $0x10, s3;
	s21 =	sor.u32 s3, s6;
	v9 =	vld [tilespmem:s19+$0x80]  }
0x1d2: {  	s23 =	sadd.s32 $0xB400, s20;
	v10 =	vadd.s32 $0xE07, v1;
	s16 =	sor.u32 $0x20, s3;
	s25 =	sor.u32 s11, s6;
	v11 =	vld [tilespmem:s21+$0x80]  }
0x1d3: {  	v12 =	vadd.s32 $0xE07, v7;
	s28 =	sor.u32 s29, s23;
	s6 =	sor.u32 s16, s6;
	v13 =	vld [tilespmem:s25+$0x80]  }
0x1d4: {  	v14 =	vld [tilespmem:s6+$0x80];
	[tilespmem:s28+$0x0] =	vst v4;
	v4 =	vadd.s32 $0x1008, v2  }
0x1d5: {  	s8 =	sor.u32 s26, s13;
	v6 =	vld.idx.msk [tilespmem:v6+s5+$0x0], $0xffff  }
0x1d6: {  	s4 =	sor.u32 s24, s13;
	[tilespmem:s8+$0x0] =	vst v0;
	v0 =	vmin.f32 v9, $1.000000000e+00;
	v9 =	vadd.s32 $0x1209, v3  }
0x1d7: {  	v16 =	vadd.s32 $0x1209, v2;
	s9 =	sor.u32 s22, s23;
	[tilespmem:s4+$0x0] =	vst v5;
	v5 =	vld.idx.msk [tilespmem:v10+s5+$0x0], $0xffff;
	v0 =	vmul.f32 $5.120000000e+02, v0  }
0x1d8: {  	v15 =	vadd.s32 $0x1008, v1;
	s10 =	sadd.s32 $0xF080, s20;
	v10 =	vadd.s32 $0x1008, v7;
	[tilespmem:s9+$0x0] =	vst v8;
	v8 =	vmin.f32 v11, $1.000000000e+00;
	v11 =	vld.idx.msk [tilespmem:v12+s5+$0x0], $0xffff  }
0x1d9: {  	s12 =	sor.u32 s29, s10;
	v8 =	vmul.f32 $5.120000000e+02, v8;
	v12 =	vmin.f32 v13, $1.000000000e+00;
	v4 =	vld.idx.msk [tilespmem:v4+s5+$0x0], $0xffff;
	v0 =	vtrunc.f32 v0  }
0x1da: {  	v13 =	vmin.f32 v14, $1.000000000e+00;
	v12 =	vmul.f32 $5.120000000e+02, v12;
	v0 =	vcvt.f32.s32 v0;
	[tilespmem:s12+$0x0] =	vst v6  }
0x1db: {  	s13 =	sor.u32 s26, s23;
	v6 =	vtrunc.f32 v8;
	v8 =	vmul.f32 $5.120000000e+02, v13;
	v9 =	vld.idx.msk [tilespmem:v9+s5+$0x0], $0xffff  }
0x1dc: {  	s1 =	sor.u32 s24, s23;
	v12 =	vtrunc.f32 v12;
	[tilespmem:s13+$0x0] =	vst v5;
	v5 =	vadd.s32 $0x140A, v3;
	v25 =	vcvt.f32.s32 v6  }
0x1dd: {  	s15 =	sor.u32 s22, s10;
	v21 =	vcvt.f32.s32 v12;
	[tilespmem:s1+$0x0] =	vst v11;
	v6 =	vtrunc.f32 v8;
	v8 =	vld.idx.msk [tilespmem:v15+s5+$0x0], $0xffff  }
0x1de: {  	s17 =	sadd.s32 $0xF100, s20;
	v52 =	vcvt.f32.s32 v6;
	[tilespmem:s15+$0x0] =	vst v4;
	v4 =	vld.idx.msk [tilespmem:v10+s5+$0x0], $0xffff  }
0x1df: {  	s19 =	sor.u32 s29, s17;
	v6 =	vld.idx.msk [tilespmem:v16+s5+$0x0], $0xffff  }
0x1e0: {  	v10 =	vadd.s32 $0x1209, v1;
	v11 =	vld.idx.msk [tilespmem:v0+s5+$0x0], $0xffff;
	[tilespmem:s19+$0x0] =	vst v9  }
0x1e1: {  	s21 =	sor.u32 s26, s10;
	v12 =	vadd.s32 $0x1209, v7;
	v5 =	vld.idx.msk [tilespmem:v5+s5+$0x0], $0xffff  }
0x1e2: {  	s4 =	sor.u32 s24, s10;
	v9 =	vadd.s32 $0x201, v0;
	v13 =	vld.idx.msk [tilespmem:v25+s5+$0x0], $0xffff;
	[tilespmem:s21+$0x0] =	vst v8  }
0x1e3: {  	s23 =	sadd.s32 $0xB080, s2;
	s28 =	sor.u32 s22, s17;
	v14 =	vadd.s32 $0x160B, v3;
	v8 =	vld.idx.msk [tilespmem:v21+s5+$0x0], $0xffff;
	[tilespmem:s4+$0x0] =	vst v4  }
0x1e4: {  	s25 =	sor.u32 s14, s23;
	v15 =	vadd.s32 $0x201, v25;
	v4 =	vld.idx.msk [tilespmem:v52+s5+$0x0], $0xffff;
	s4 =	sadd.s32 $0xF180, s20;
	[tilespmem:s28+$0x0] =	vst v6  }
0x1e5: {  	v16 =	vadd.s32 $0x201, v21;
	v10 =	vld.idx.msk [tilespmem:v10+s5+$0x0], $0xffff;
	s8 =	sor.u32 s29, s4;
	[tilespmem:s25+$0x0] =	vst v11  }
0x1e6: {  	s9 =	sor.u32 s3, s23;
	v12 =	vld.idx.msk [tilespmem:v12+s5+$0x0], $0xffff;
	v11 =	vadd.s32 $0x201, v52;
	[tilespmem:s8+$0x0] =	vst v5  }
0x1e7: {  	s10 =	sor.u32 s11, s23;
	v6 =	vld.idx.msk [tilespmem:v9+s5+$0x0], $0xffff;
	v9 =	vadd.s32 $0x140A, v2;
	[tilespmem:s9+$0x0] =	vst v13  }
0x1e8: {  	s6 =	sor.u32 s16, s23;
	v5 =	vadd.s32 $0x402, v0;
	[tilespmem:s10+$0x0] =	vst v8;
	v13 =	vld.idx.msk [tilespmem:v14+s5+$0x0], $0xffff  }
0x1e9: {  	s12 =	sor.u32 s26, s17;
	v14 =	vadd.s32 $0x140A, v1;
	v15 =	vld.idx.msk [tilespmem:v15+s5+$0x0], $0xffff;
	[tilespmem:s6+$0x0] =	vst v4  }
0x1ea: {  	s13 =	sadd.s32 $0xB100, s2;
	s1 =	sor.u32 s24, s17;
	v8 =	vld.idx.msk [tilespmem:v16+s5+$0x0], $0xffff;
	v4 =	vadd.s32 $0x180C, v3;
	[tilespmem:s12+$0x0] =	vst v10  }
0x1eb: {  	s15 =	sor.u32 s14, s13;
	v16 =	vadd.s32 $0x402, v25;
	s6 =	sadd.s32 $0xF200, s20;
	[tilespmem:s1+$0x0] =	vst v12;
	v11 =	vld.idx.msk [tilespmem:v11+s5+$0x0], $0xffff  }
0x1ec: {  	v10 =	vadd.s32 $0x402, v21;
	s17 =	sor.u32 s29, s6;
	[tilespmem:s15+$0x0] =	vst v6;
	v6 =	vld.idx.msk [tilespmem:v9+s5+$0x0], $0xffff  }
0x1ed: {  	s19 =	sor.u32 s3, s13;
	v9 =	vadd.s32 $0x402, v52;
	v5 =	vld.idx.msk [tilespmem:v5+s5+$0x0], $0xffff;
	[tilespmem:s17+$0x0] =	vst v13  }
0x1ee: {  	s21 =	sor.u32 s11, s13;
	v12 =	vadd.s32 $0x140A, v7;
	v14 =	vld.idx.msk [tilespmem:v14+s5+$0x0], $0xffff;
	[tilespmem:s19+$0x0] =	vst v15  }
0x1ef: {  	s23 =	sor.u32 s16, s13;
	v15 =	vadd.s32 $0x160B, v2;
	[tilespmem:s21+$0x0] =	vst v8;
	v4 =	vld.idx.msk [tilespmem:v4+s5+$0x0], $0xffff  }
0x1f0: {  	s28 =	sadd.s32 $0xB180, s2;
	s25 =	sor.u32 s22, s4;
	v13 =	vadd.s32 $0x603, v0;
	v16 =	vld.idx.msk [tilespmem:v16+s5+$0x0], $0xffff;
	[tilespmem:s23+$0x0] =	vst v11  }
0x1f1: {  	s10 =	sor.u32 s14, s28;
	v8 =	vld.idx.msk [tilespmem:v10+s5+$0x0], $0xffff;
	v10 =	vadd.s32 $0x1A0D, v3;
	[tilespmem:s25+$0x0] =	vst v6  }
0x1f2: {  	s9 =	sor.u32 s26, s4;
	s1 =	sadd.s32 $0xF280, s20;
	v11 =	vadd.s32 $0x603, v25;
	v9 =	vld.idx.msk [tilespmem:v9+s5+$0x0], $0xffff;
	[tilespmem:s10+$0x0] =	vst v5  }
0x1f3: {  	s12 =	sor.u32 s29, s1;
	v6 =	vadd.s32 $0x603, v21;
	v5 =	vld.idx.msk [tilespmem:v12+s5+$0x0], $0xffff;
	[tilespmem:s9+$0x0] =	vst v14  }
0x1f4: {  	s13 =	sor.u32 s3, s28;
	v12 =	vadd.s32 $0x603, v52;
	v15 =	vld.idx.msk [tilespmem:v15+s5+$0x0], $0xffff;
	[tilespmem:s12+$0x0] =	vst v4  }
0x1f5: {  	s15 =	sor.u32 s11, s28;
	v14 =	vadd.s32 $0x160B, v1;
	v13 =	vld.idx.msk [tilespmem:v13+s5+$0x0], $0xffff;
	[tilespmem:s13+$0x0] =	vst v16  }
0x1f6: {  	s8 =	sor.u32 s16, s28;
	v16 =	vadd.s32 $0x160B, v7;
	[tilespmem:s15+$0x0] =	vst v8;
	v10 =	vld.idx.msk [tilespmem:v10+s5+$0x0], $0xffff  }
0x1f7: {  	s4 =	sor.u32 s24, s4;
	v4 =	vadd.s32 $0x804, v0;
	v11 =	vld.idx.msk [tilespmem:v11+s5+$0x0], $0xffff;
	[tilespmem:s8+$0x0] =	vst v9  }
0x1f8: {  	s17 =	sadd.s32 $0xB200, s2;
	s21 =	sor.u32 s22, s6;
	v8 =	vadd.s32 $0x1C0E, v3;
	v6 =	vld.idx.msk [tilespmem:v6+s5+$0x0], $0xffff;
	[tilespmem:s4+$0x0] =	vst v5  }
0x1f9: {  	s19 =	sor.u32 s14, s17;
	v9 =	vadd.s32 $0x804, v25;
	v12 =	vld.idx.msk [tilespmem:v12+s5+$0x0], $0xffff;
	s4 =	sadd.s32 $0xF300, s20;
	[tilespmem:s21+$0x0] =	vst v15  }
0x1fa: {  	v5 =	vadd.s32 $0x804, v21;
	[tilespmem:s19+$0x0] =	vst v13;
	v13 =	vld.idx.msk [tilespmem:v14+s5+$0x0], $0xffff;
	s23 =	sor.u32 s29, s4  }
0x1fb: {  	s25 =	sor.u32 s3, s17;
	v15 =	vadd.s32 $0x180C, v2;
	v16 =	vld.idx.msk [tilespmem:v16+s5+$0x0], $0xffff;
	[tilespmem:s23+$0x0] =	vst v10  }
0x1fc: {  	s28 =	sor.u32 s11, s17;
	v14 =	vadd.s32 $0x804, v52;
	v4 =	vld.idx.msk [tilespmem:v4+s5+$0x0], $0xffff;
	[tilespmem:s25+$0x0] =	vst v11  }
0x1fd: {  	s7 =	sor.u32 s16, s17;
	v10 =	vadd.s32 $0xA05, v0;
	v8 =	vld.idx.msk [tilespmem:v8+s5+$0x0], $0xffff;
	[tilespmem:s28+$0x0] =	vst v6  }
0x1fe: {  	v19 =	vadd.s32 $0x180C, v7;
	s10 =	sor.u32 s26, s6;
	v9 =	vld.idx.msk [tilespmem:v9+s5+$0x0], $0xffff;
	[tilespmem:s7+$0x0] =	vst v12  }
0x1ff: {  	s12 =	sadd.s32 $0xB280, s2;
	s15 =	sor.u32 s24, s6;
	v11 =	vadd.s32 $0x180C, v1;
	v17 =	vld.idx.msk [tilespmem:v5+s5+$0x0], $0xffff;
	[tilespmem:s10+$0x0] =	vst v13  }
0x200: {  	s6 =	sadd.s32 $0xF380, s20;
	s13 =	sor.u32 s14, s12;
	v12 =	vadd.s32 $0x1E0F, v3;
	v15 =	vld.idx.msk [tilespmem:v15+s5+$0x0], $0xffff;
	[tilespmem:s15+$0x0] =	vst v16  }
0x201: {  	v26 =	vadd.s32 $0x1A0D, v2;
	v18 =	vadd.s32 $0xA05, v25;
	s17 =	sor.u32 s29, s6;
	v14 =	vld.idx.msk [tilespmem:v14+s5+$0x0], $0xffff;
	[tilespmem:s13+$0x0] =	vst v4  }
0x202: {  	v45 =	vadd.s32 $0x1E0F, v2;
	v28 =	vadd.s32 $0x1A0D, v1;
	s19 =	sor.u32 s3, s12;
	v13 =	vadd.s32 $0xA05, v21;
	v10 =	vld.idx.msk [tilespmem:v10+s5+$0x0], $0xffff;
	[tilespmem:s17+$0x0] =	vst v8  }
0x203: {  	v48 =	vadd.s32 $0x1C0E, v1;
	v44 =	vadd.s32 $0x1E0F, v1;
	v20 =	vadd.s32 $0xA05, v52;
	s21 =	sor.u32 s11, s12;
	v42 =	vld.idx.msk [tilespmem:v19+s5+$0x0], $0xffff;
	[tilespmem:s19+$0x0] =	vst v9  }
0x204: {  	v41 =	vadd.s32 $0x1A0D, v7;
	v47 =	vadd.s32 $0x1C0E, v7;
	s25 =	sor.u32 s22, s1;
	v11 =	vld.idx.msk [tilespmem:v11+s5+$0x0], $0xffff;
	v8 =	vadd.s32 $0xC06, v0;
	[tilespmem:s21+$0x0] =	vst v17  }
0x205: {  	v46 =	vadd.s32 $0x1E0F, v7;
	v60 =	vadd.s32 $0xC06, v21;
	v30 =	vadd.s32 $0xE07, v21;
	s23 =	sor.u32 s16, s12;
	s28 =	sadd.s32 $0xB300, s2;
	v9 =	vld.idx.msk [tilespmem:v12+s5+$0x0], $0xffff;
	[tilespmem:s25+$0x0] =	vst v15  }
0x206: {  	v24 =	vadd.s32 $0x1008, v21;
	v33 =	vadd.s32 $0x1C0E, v21;
	v40 =	vadd.s32 $0xE07, v0;
	s10 =	sor.u32 s14, s28;
	v7 =	vld.idx.msk [tilespmem:v18+s5+$0x0], $0xffff;
	[tilespmem:s23+$0x0] =	vst v14  }
0x207: {  	v53 =	vadd.s32 $0xC06, v25;
	v31 =	vadd.s32 $0xE07, v25;
	v1 =	vadd.s32 $0x140A, v25;
	v62 =	vld.idx.msk [tilespmem:v13+s5+$0x0], $0xffff;
	[tilespmem:s10+$0x0] =	vst v10  }
0x208: {  	v27 =	vadd.s32 $0x1008, v25;
	v22 =	vadd.s32 $0x1209, v25;
	v56 =	vadd.s32 $0x160B, v25;
	s8 =	sadd.s32 $0xF400, s20;
	s12 =	sor.u32 s26, s1;
	v63 =	vld.idx.msk [tilespmem:v20+s5+$0x0], $0xffff;
	[tilespmem:$0x1FF70] =	vst v1  }
0x209: {  	v50 =	vadd.s32 $0x180C, v25;
	v32 =	vadd.s32 $0x1C0E, v25;
	v61 =	vadd.s32 $0xC06, v52;
	s20 =	simm.s32 $0x4;
	s9 =	sor.u32 s26, s8;
	s13 =	sor.u32 s29, s8;
	v43 =	vld.idx.msk [tilespmem:v8+s5+$0x0], $0xffff;
	[tilespmem:s12+$0x0] =	vst v11  }
0x20a: {  	v29 =	vadd.s32 $0xE07, v52;
	v23 =	vadd.s32 $0x1008, v52;
	v6 =	vadd.s32 $0x1C0E, v2;
	s15 =	sor.u32 s11, s28;
	s17 =	sor.u32 s24, s4;
	s10 =	sor.u32 s24, s1;
	v38 =	vld.idx.msk [tilespmem:v26+s5+$0x0], $0xffff;
	[tilespmem:s13+$0x0] =	vst v9  }
0x20b: {  	v19 =	vadd.s32 $0x160B, v52;
	s19 =	sor.u32 s22, s6;
	v18 =	vadd.s32 $0x140A, v21;
	v17 =	vadd.s32 $0x140A, v52;
	s21 =	sor.u32 s26, s6;
	s12 =	sor.u32 s3, s28;
	[tilespmem:s10+$0x0] =	vst v42;
	v37 =	vld.idx.msk [tilespmem:v28+s5+$0x0], $0xffff  }
0x20c: {  	v15 =	vadd.s32 $0x160B, v21;
	v12 =	vadd.s32 $0x180C, v21;
	s25 =	sor.u32 s16, s28;
	v14 =	vadd.s32 $0x1209, v52;
	s23 =	sor.u32 s26, s4;
	s1 =	sor.u32 s22, s4;
	[tilespmem:s12+$0x0] =	vst v7;
	v34 =	vld.idx.msk [tilespmem:v41+s5+$0x0], $0xffff  }
0x20d: {  	v13 =	vadd.s32 $0x180C, v52;
	v20 =	vadd.s32 $0x1209, v21;
	v10 =	vadd.s32 $0x1A0D, v21;
	s4 =	sor.u32 s24, s8;
	s13 =	sor.u32 s24, s6;
	s28 =	sadd.s32 $0xB380, s2;
	[tilespmem:s15+$0x0] =	vst v62;
	v39 =	vld.idx.msk [tilespmem:v53+s5+$0x0], $0xffff  }
0x20e: {  	v9 =	vadd.s32 $0x1A0D, v25;
	v11 =	vadd.s32 $0x1A0D, v52;
	v25 =	vadd.s32 $0x1E0F, v25;
	s15 =	sor.u32 s22, s8;
	s29 =	sor.u32 s14, s28;
	s10 =	sor.u32 s11, s28;
	v35 =	vld.idx.msk [tilespmem:v60+s5+$0x0], $0xffff;
	[tilespmem:s25+$0x0] =	vst v63  }
0x20f: {  	v26 =	vadd.s32 $0x1E0F, v21;
	v21 =	vadd.s32 $0x1E0F, v52;
	v28 =	vadd.s32 $0x1C0E, v52;
	s6 =	sor.u32 s16, s28;
	s22 =	simm.s32 $0x400;
	s25 =	sor.u32 s3, s28;
	v36 =	vld.idx.msk [tilespmem:v61+s5+$0x0], $0xffff;
	[tilespmem:s29+$0x0] =	vst v43  }
.LBB2_5:
0x210: {  	_ =	sdelay $0x2  }
0x211: {  	[tilespmem:$0x1FF10] =	vst v9;
	s24 =	sand.u32 $0x3C00, s22;
	s18 =	sadd.s32 $0x40, s18  }
0x212: {  	v40 =	vld.idx.msk [tilespmem:v40+s5+$0x0], $0xffff;
	[tilespmem:s1+$0x0] =	vst v38;
	s8 =	sand.u32 $0x40, s18;
	s26 =	sshrl.u32 s24, $0x2  }
0x213: {  	[tilespmem:s23+$0x0] =	vst v37;
	s1 =	sor.u32 $0x2080, s26;
	s12 =	sor.u32 $0x30, s8;
	v38 =	vld.idx.msk [tilespmem:v6+s5+$0x0], $0xffff  }
0x214: {  	s28 =	sor.u32 s12, s1;
	[tilespmem:s6+$0x0] =	vst v36;
	v37 =	vld.idx.msk [tilespmem:v48+s5+$0x0], $0xffff  }
0x215: {  	[tilespmem:s25+$0x0] =	vst v39;
	v42 =	vld [tilespmem:s28+$0x80]  }
0x216: {  	s26 =	sor.u32 $0x10, s8;
	s29 =	sor.u32 $0x20, s8;
	s7 =	sor.u32 s8, s1;
	[tilespmem:s10+$0x0] =	vst v35;
	v31 =	vld.idx.msk [tilespmem:v31+s5+$0x0], $0xffff  }
0x217: {  	v1 =	vmov v32;
	v41 =	vadd.s32 $0x1008, v0;
	s10 =	sor.u32 s26, s1;
	s1 =	sor.u32 s29, s1;
	[tilespmem:s17+$0x0] =	vst v34;
	v43 =	vld [tilespmem:s7+$0x80]  }
0x218: {  	[tilespmem:$0x1FF40] =	vst v10;
	s25 =	sadd.s32 $0xB400, s2;
	v36 =	vld [tilespmem:s1+$0x80]  }
0x219: {  	[tilespmem:$0x1FF30] =	vst v1;
	s28 =	sor.u32 s14, s25;
	v48 =	vld [tilespmem:s10+$0x80]  }
0x21a: {  	v1 =	vmov v33;
	v29 =	vld.idx.msk [tilespmem:v29+s5+$0x0], $0xffff;
	[tilespmem:s28+$0x0] =	vst v40;
	v33 =	vmin.f32 v42, $1.000000000e+00  }
0x21b: {  	v49 =	vld.idx.msk [tilespmem:v47+s5+$0x0], $0xffff;
	[tilespmem:s19+$0x0] =	vst v38;
	v33 =	vmul.f32 $5.120000000e+02, v33  }
0x21c: {  	s6 =	sor.u32 s3, s25;
	v32 =	vld.idx.msk [tilespmem:v41+s5+$0x0], $0xffff;
	[tilespmem:s21+$0x0] =	vst v37  }
0x21d: {  	[tilespmem:s6+$0x0] =	vst v31;
	v30 =	vld.idx.msk [tilespmem:v30+s5+$0x0], $0xffff;
	v31 =	vadd.s32 $0x1209, v0;
	v59 =	vmin.f32 v36, $1.000000000e+00;
	v33 =	vtrunc.f32 v33  }
0x21e: {  	[tilespmem:$0x1FF00] =	vst v1;
	s10 =	sor.u32 s16, s25;
	v27 =	vld.idx.msk [tilespmem:v27+s5+$0x0], $0xffff;
	v61 =	vmul.f32 $5.120000000e+02, v59;
	v37 =	vcvt.f32.s32 v33  }
0x21f: {  	s23 =	sadd.s32 $0xF080, s2;
	v34 =	vmin.f32 v48, $1.000000000e+00;
	[tilespmem:s10+$0x0] =	vst v29;
	v60 =	vld.idx.msk [tilespmem:v45+s5+$0x0], $0xffff  }
0x220: {  	v9 =	vmov v26;
	s28 =	sor.u32 s14, s23;
	v34 =	vmul.f32 $5.120000000e+02, v34;
	v23 =	vld.idx.msk [tilespmem:v23+s5+$0x0], $0xffff;
	[tilespmem:s13+$0x0] =	vst v49;
	v26 =	vtrunc.f32 v61  }
0x221: {  	s7 =	sor.u32 s11, s25;
	v35 =	vmin.f32 v43, $1.000000000e+00;
	[tilespmem:s28+$0x0] =	vst v32;
	v63 =	vld.idx.msk [tilespmem:v46+s5+$0x0], $0xffff;
	v57 =	vcvt.f32.s32 v26  }
0x222: {  	v1 =	vmov v25;
	v35 =	vmul.f32 $5.120000000e+02, v35;
	v25 =	vtrunc.f32 v34;
	v31 =	vld.idx.msk [tilespmem:v31+s5+$0x0], $0xffff;
	[tilespmem:s7+$0x0] =	vst v30  }
0x223: {  	v16 =	vmovc v15;
	v15 =	vmov v56;
	s25 =	sor.u32 s3, s23;
	[tilespmem:$0x1FF20] =	vst v1;
	v29 =	vadd.s32 $0x140A, v0;
	v56 =	vcvt.f32.s32 v25;
	v25 =	vld.idx.msk [tilespmem:v44+s5+$0x0], $0xffff  }
0x224: {  	v10 =	vmov v28;
	s17 =	sor.u32 s16, s23;
	v28 =	vtrunc.f32 v35;
	[tilespmem:s25+$0x0] =	vst v27;
	v62 =	vld.idx.msk [tilespmem:v37+s5+$0x0], $0xffff  }
0x225: {  	s1 =	sor.u32 s11, s23;
	s23 =	sadd.s32 $0xF100, s2;
	v1 =	vmov v21;
	v28 =	vcvt.f32.s32 v28;
	v21 =	vadd.s32 $0x201, v37;
	v24 =	vld.idx.msk [tilespmem:v24+s5+$0x0], $0xffff;
	[tilespmem:s17+$0x0] =	vst v23  }
0x226: {  	s28 =	sor.u32 s14, s23;
	v22 =	vld.idx.msk [tilespmem:v22+s5+$0x0], $0xffff;
	[tilespmem:s15+$0x0] =	vst v60  }
0x227: {  	s19 =	sadd.s32 $0xB080, s24;
	[tilespmem:s28+$0x0] =	vst v31;
	v58 =	vld.idx.msk [tilespmem:v57+s5+$0x0], $0xffff  }
0x228: {  	s21 =	sor.u32 s12, s19;
	[tilespmem:s4+$0x0] =	vst v63;
	v46 =	vld.idx.msk [tilespmem:v29+s5+$0x0], $0xffff  }
0x229: {  	v51 =	vadd.s32 $0x160B, v0;
	[tilespmem:s21+$0x0] =	vst v62  }
0x22a: {  	s25 =	sor.u32 s3, s23;
	[tilespmem:s9+$0x0] =	vst v25;
	v21 =	vld.idx.msk [tilespmem:v21+s5+$0x0], $0xffff  }
0x22b: {  	s10 =	sor.u32 s11, s23;
	v26 =	vadd.s32 $0x201, v57;
	v25 =	vld.idx.msk [tilespmem:v28+s5+$0x0], $0xffff;
	[tilespmem:s25+$0x0] =	vst v22;
	s25 =	sadd.s32 $0xF180, s2  }
0x22c: {  	s6 =	sor.u32 s16, s23;
	s13 =	sor.u32 s26, s19;
	v63 =	vld.idx.msk [tilespmem:v14+s5+$0x0], $0xffff;
	[tilespmem:s1+$0x0] =	vst v24;
	s28 =	sor.u32 s14, s25  }
0x22d: {  	s23 =	sor.u32 s29, s19;
	s9 =	sor.u32 s8, s19;
	s19 =	sadd.s32 $0xB100, s24;
	v49 =	vld.idx.msk [tilespmem:v56+s5+$0x0], $0xffff;
	[tilespmem:s28+$0x0] =	vst v46  }
0x22e: {  	v41 =	vadd.s32 $0x201, v56;
	[tilespmem:s23+$0x0] =	vst v58;
	s23 =	sor.u32 s12, s19;
	v4 =	vld.idx.msk [tilespmem:v51+s5+$0x0], $0xffff  }
0x22f: {  	v33 =	vadd.s32 $0x201, v28;
	[tilespmem:s23+$0x0] =	vst v21;
	v21 =	vld [tilespmem:$0x1FF70]  }
0x230: {  	v3 =	vadd.s32 $0x402, v37;
	v8 =	vld.idx.msk [tilespmem:v26+s5+$0x0], $0xffff  }
0x231: {  	[tilespmem:$0x1FF50] =	vst v1;
	v54 =	vadd.s32 $0x402, v57;
	v59 =	vld.idx.msk [tilespmem:v20+s5+$0x0], $0xffff  }
0x232: {  	[tilespmem:s13+$0x0] =	vst v49  }
0x233: {  	[tilespmem:s9+$0x0] =	vst v25;
	v7 =	vld.idx.msk [tilespmem:v41+s5+$0x0], $0xffff  }
0x234: {  	v53 =	vadd.s32 $0x402, v56;
	s4 =	sor.u32 s29, s19;
	s17 =	sor.u32 s3, s25;
	[tilespmem:s6+$0x0] =	vst v63;
	v5 =	vld.idx.msk [tilespmem:v33+s5+$0x0], $0xffff  }
0x235: {  	s15 =	sor.u32 s11, s25;
	s1 =	sor.u32 s16, s25;
	s25 =	sadd.s32 $0xF200, s2;
	v58 =	vadd.s32 $0x180C, v0;
	v3 =	vld.idx.msk [tilespmem:v3+s5+$0x0], $0xffff;
	[tilespmem:s4+$0x0] =	vst v8  }
0x236: {  	v55 =	vadd.s32 $0x402, v28;
	s28 =	sor.u32 s14, s25;
	[tilespmem:s10+$0x0] =	vst v59;
	v63 =	vld.idx.msk [tilespmem:v54+s5+$0x0], $0xffff  }
0x237: {  	v60 =	vadd.s32 $0x140A, v28;
	s21 =	sor.u32 s26, s19;
	[tilespmem:s28+$0x0] =	vst v4;
	v59 =	vld.idx.msk [tilespmem:v21+s5+$0x0], $0xffff  }
0x238: {  	s7 =	sor.u32 s8, s19;
	v4 =	vadd.s32 $0x603, v37;
	v21 =	vmov v60;
	v60 =	vld.idx.msk [tilespmem:v18+s5+$0x0], $0xffff;
	[tilespmem:s21+$0x0] =	vst v7  }
0x239: {  	v1 =	vadd.s32 $0xC06, v57;
	[tilespmem:s7+$0x0] =	vst v5;
	s7 =	sadd.s32 $0xB180, s24;
	v7 =	vld.idx.msk [tilespmem:v53+s5+$0x0], $0xffff  }
0x23a: {  	v48 =	vadd.s32 $0x603, v56;
	[tilespmem:$0x1FF60] =	vst v1;
	v5 =	vld.idx.msk [tilespmem:v58+s5+$0x0], $0xffff;
	s10 =	sor.u32 s12, s7  }
0x23b: {  	v34 =	vmovc v13;
	v13 =	vmov v12;
	v12 =	vmov v50;
	v50 =	vadd.s32 $0x603, v57;
	v55 =	vld.idx.msk [tilespmem:v55+s5+$0x0], $0xffff;
	[tilespmem:s10+$0x0] =	vst v3  }
0x23c: {  	v3 =	vld.idx.msk [tilespmem:v17+s5+$0x0], $0xffff;
	[tilespmem:s17+$0x0] =	vst v59  }
0x23d: {  	s28 =	sor.u32 s26, s7;
	v4 =	vld.idx.msk [tilespmem:v4+s5+$0x0], $0xffff;
	[tilespmem:s15+$0x0] =	vst v60  }
0x23e: {  	s19 =	sor.u32 s3, s25;
	s23 =	sadd.s32 $0xF280, s2;
	v8 =	vadd.s32 $0x1A0D, v0;
	s17 =	sor.u32 s29, s7;
	v60 =	vld.idx.msk [tilespmem:v15+s5+$0x0], $0xffff;
	[tilespmem:s28+$0x0] =	vst v7  }
0x23f: {  	v47 =	vadd.s32 $0x603, v28;
	v62 =	vadd.s32 $0x140A, v57;
	s9 =	sor.u32 s16, s25;
	s13 =	sor.u32 s11, s25;
	s25 =	sor.u32 s14, s23;
	[tilespmem:s17+$0x0] =	vst v63;
	v7 =	vld.idx.msk [tilespmem:v48+s5+$0x0], $0xffff  }
0x240: {  	v42 =	vadd.s32 $0x804, v56;
	v43 =	vadd.s32 $0x804, v57;
	v40 =	vadd.s32 $0xA05, v56;
	v17 =	vmovc v62;
	[tilespmem:s25+$0x0] =	vst v5;
	v62 =	vld.idx.msk [tilespmem:v50+s5+$0x0], $0xffff  }
0x241: {  	v36 =	vadd.s32 $0xC06, v56;
	v30 =	vadd.s32 $0xE07, v56;
	v2 =	vadd.s32 $0x160B, v56;
	s4 =	sor.u32 s11, s23;
	s21 =	sor.u32 s8, s7;
	s28 =	sadd.s32 $0xB200, s24;
	[tilespmem:s1+$0x0] =	vst v3;
	v3 =	vld.idx.msk [tilespmem:v16+s5+$0x0], $0xffff  }
0x242: {  	v61 =	vadd.s32 $0x140A, v56;
	v1 =	vadd.s32 $0x160B, v28;
	v24 =	vadd.s32 $0x1008, v56;
	s6 =	sor.u32 s16, s23;
	s10 =	sor.u32 s3, s23;
	[tilespmem:s21+$0x0] =	vst v55;
	v15 =	vmovc v2;
	s23 =	sor.u32 s12, s28;
	v2 =	vld.idx.msk [tilespmem:v19+s5+$0x0], $0xffff  }
0x243: {  	v20 =	vadd.s32 $0x1209, v56;
	v46 =	vadd.s32 $0x1A0D, v56;
	v26 =	vadd.s32 $0x1E0F, v56;
	v5 =	vld.idx.msk [tilespmem:v8+s5+$0x0], $0xffff;
	s21 =	sor.u32 s26, s28;
	[tilespmem:s23+$0x0] =	vst v4  }
0x244: {  	v51 =	vadd.s32 $0x180C, v56;
	v33 =	vadd.s32 $0x1C0E, v56;
	v56 =	vmovc v1;
	v1 =	vadd.s32 $0x804, v37;
	v8 =	vld.idx.msk [tilespmem:v47+s5+$0x0], $0xffff;
	s7 =	sor.u32 s29, s28;
	[tilespmem:s21+$0x0] =	vst v7  }
0x245: {  	v18 =	vmov v61;
	v61 =	vadd.s32 $0x1C0E, v0;
	[tilespmem:s7+$0x0] =	vst v62;
	v7 =	vld.idx.msk [tilespmem:v42+s5+$0x0], $0xffff  }
0x246: {  	s25 =	sadd.s32 $0xF300, s2;
	v63 =	vld.idx.msk [tilespmem:v43+s5+$0x0], $0xffff;
	[tilespmem:s13+$0x0] =	vst v3  }
0x247: {  	s17 =	sor.u32 s16, s25;
	[tilespmem:s9+$0x0] =	vst v2;
	v2 =	vld.idx.msk [tilespmem:v13+s5+$0x0], $0xffff  }
0x248: {  	v44 =	vadd.s32 $0x804, v28;
	s15 =	sor.u32 s8, s28;
	s28 =	sor.u32 s14, s25;
	[tilespmem:s19+$0x0] =	vst v60;
	s19 =	sadd.s32 $0xB280, s24  }
0x249: {  	s1 =	sor.u32 s3, s25;
	s23 =	sor.u32 s11, s25;
	v1 =	vld.idx.msk [tilespmem:v1+s5+$0x0], $0xffff;
	[tilespmem:s28+$0x0] =	vst v5;
	s25 =	sor.u32 s26, s19  }
0x24a: {  	v5 =	vld.idx.msk [tilespmem:v61+s5+$0x0], $0xffff;
	[tilespmem:s25+$0x0] =	vst v7  }
0x24b: {  	[tilespmem:s15+$0x0] =	vst v8;
	v7 =	vld.idx.msk [tilespmem:v40+s5+$0x0], $0xffff  }
0x24c: {  	v6 =	vadd.s32 $0x160B, v57;
	[tilespmem:s4+$0x0] =	vst v2;
	v2 =	vld [tilespmem:$0x1FF10]  }
0x24d: {  	v19 =	vmov v6;
	s21 =	sor.u32 s12, s19;
	v6 =	vld.idx.msk [tilespmem:v44+s5+$0x0], $0xffff  }
0x24e: {  	v38 =	vadd.s32 $0xA05, v28;
	[tilespmem:s21+$0x0] =	vst v1;
	v1 =	vld.idx.msk [tilespmem:v12+s5+$0x0], $0xffff;
	_ =	sdelay $0x2  }
0x24f: {  	s7 =	sor.u32 s8, s19  }
0x250: {  	[tilespmem:s7+$0x0] =	vst v6  }
0x251: {  	v6 =	vld.idx.msk [tilespmem:v38+s5+$0x0], $0xffff;
	[tilespmem:s10+$0x0] =	vst v1  }
0x252: {  	v38 =	vld.idx.msk [tilespmem:v2+s5+$0x0], $0xffff  }
0x253: {  	v2 =	vld [tilespmem:$0x1FF40]  }
0x254: {  	v4 =	vadd.s32 $0xA05, v37  }
0x255: {  	v8 =	vadd.s32 $0x1E0F, v0;
	_ =	sdelay $0x1  }
0x256: {  	v48 =	vld [tilespmem:$0x1FF00];
	s13 =	sadd.s32 $0xF380, s2  }
0x257: {  	v47 =	vmov v10;
	v10 =	vmov v46;
	v46 =	vld [tilespmem:$0x1FF50];
	s28 =	sor.u32 s14, s13  }
0x258: {  	v39 =	vadd.s32 $0xA05, v57;
	v3 =	vld.idx.msk [tilespmem:v4+s5+$0x0], $0xffff;
	[tilespmem:s28+$0x0] =	vst v5  }
0x259: {  	v0 =	vmov v37;
	v5 =	vld.idx.msk [tilespmem:v8+s5+$0x0], $0xffff  }
0x25a: {  	v4 =	vadd.s32 $0xC06, v0;
	v37 =	vld.idx.msk [tilespmem:v2+s5+$0x0], $0xffff  }
0x25b: {  	v45 =	vadd.s32 $0x1A0D, v28;
	s15 =	sor.u32 s29, s19;
	v2 =	vld [tilespmem:$0x1FF60]  }
0x25c: {  	s20 =	sadd.s32 $0x4, s20;
	s22 =	sadd.s32 $0x200, s22;
	v35 =	vadd.s32 $0xC06, v28;
	v44 =	vmov v9;
	s9 =	sadd.s32 $0xB300, s24;
	v9 =	vmov v45;
	v45 =	vld [tilespmem:$0x1FF20];
	[tilespmem:s15+$0x0] =	vst v63  }
0x25d: {  	p0 =	slt.u32 s20, $0x7C;
	[tilespmem:$0x1FF70] =	vst v21;
	s15 =	sor.u32 s12, s9;
	v8 =	vld.idx.msk [tilespmem:v39+s5+$0x0], $0xffff;
	s10 =	sadd.s32 $0xF400, s2  }
0x25e: {  	s19 =	sor.u32 s3, s13;
	v1 =	vld.idx.msk [tilespmem:v34+s5+$0x0], $0xffff;
	s2 =	smov.u32 s24;
	[tilespmem:s15+$0x0] =	vst v3;
	s24 =	sor.u32 s14, s10  }
0x25f: {  	v27 =	vadd.s32 $0x1008, v28;
	s21 =	sor.u32 s11, s13;
	s13 =	sor.u32 s16, s13;
	s25 =	sor.u32 s8, s9;
	v3 =	vld.idx.msk [tilespmem:v4+s5+$0x0], $0xffff;
	[tilespmem:s24+$0x0] =	vst v5  }
.Ltmp1:
0x260: {  	v23 =	vadd.s32 $0x1008, v57;
	v52 =	vadd.s32 $0x1209, v57;
	v32 =	vadd.s32 $0x1C0E, v28;
	s28 =	sor.u32 s26, s9;
	s7 =	sor.u32 s29, s9;
	[tilespmem:s25+$0x0] =	vst v6;
	v6 =	vld [tilespmem:$0x1FF30];
	(pc) =	sbr.rel @p0 .LBB2_5-.Ltmp1, $4  }
0x261: {  	v31 =	vadd.s32 $0xE07, v28;
	v29 =	vadd.s32 $0xE07, v57;
	v14 =	vmovc v52;
	v52 =	vadd.s32 $0x180C, v28;
	s15 =	sor.u32 s3, s10;
	s9 =	sor.u32 s11, s10;
	s4 =	sor.u32 s16, s10;
	v39 =	vld.idx.msk [tilespmem:v35+s5+$0x0], $0xffff;
	[tilespmem:s28+$0x0] =	vst v7  }
0x262: {  	v22 =	vadd.s32 $0x1209, v28;
	v25 =	vadd.s32 $0x1E0F, v28;
	v28 =	vadd.s32 $0x1C0E, v57;
	s3 =	smov.u32 s8;
	s14 =	smov.u32 s12;
	[tilespmem:s7+$0x0] =	vst v8;
	s28 =	sadd.s32 $0xB380, s2;
	v35 =	vld.idx.msk [tilespmem:v36+s5+$0x0], $0xffff  }
0x263: {  	v49 =	vadd.s32 $0x180C, v57;
	v41 =	vadd.s32 $0x1A0D, v57;
	v21 =	vadd.s32 $0x1E0F, v57;
	s11 =	smov.u32 s26;
	s16 =	smov.u32 s29;
	s29 =	sor.u32 s14, s28;
	v36 =	vld.idx.msk [tilespmem:v2+s5+$0x0], $0xffff;
	[tilespmem:s6+$0x0] =	vst v1  }
0x264: {  	v50 =	vmovc v52;
	v12 =	vmovc v51;
	v13 =	vmov v49;
	v40 =	vadd.s32 $0xE07, v0;
	s25 =	sor.u32 s3, s28;
	s10 =	sor.u32 s11, s28;
	[tilespmem:s29+$0x0] =	vst v3;
	s6 =	sor.u32 s16, s28;
	v34 =	vld.idx.msk [tilespmem:v11+s5+$0x0], $0xffff;
	v11 =	vmov v41  }
0x265: {  	_ =	sdelay $0x3  }
0x266: {  	v1 =	vld.idx.msk [tilespmem:v40+s5+$0x0], $0xffff;
	[tilespmem:s25+$0x0] =	vst v39  }
0x267: {  	v2 =	vadd.s32 $0x1008, v0;
	v3 =	vld.idx.msk [tilespmem:v31+s5+$0x0], $0xffff;
	[tilespmem:s10+$0x0] =	vst v35  }
0x268: {  	v4 =	vld.idx.msk [tilespmem:v30+s5+$0x0], $0xffff  }
0x269: {  	s28 =	sadd.s32 $0xB400, s2  }
0x26a: {  	s7 =	sor.u32 s14, s28;
	[tilespmem:s6+$0x0] =	vst v36  }
0x26b: {  	s29 =	sor.u32 s3, s28;
	v5 =	vld.idx.msk [tilespmem:v29+s5+$0x0], $0xffff;
	[tilespmem:s7+$0x0] =	vst v1  }
0x26c: {  	s8 =	sor.u32 s11, s28;
	v1 =	vld.idx.msk [tilespmem:v2+s5+$0x0], $0xffff;
	[tilespmem:s29+$0x0] =	vst v3  }
0x26d: {  	v42 =	vadd.s32 $0x1209, v0;
	v3 =	vld.idx.msk [tilespmem:v27+s5+$0x0], $0xffff;
	[tilespmem:s8+$0x0] =	vst v4  }
0x26e: {  	v4 =	vld.idx.msk [tilespmem:v24+s5+$0x0], $0xffff  }
0x26f: {  	s10 =	sadd.s32 $0xF080, s2;
	s6 =	sor.u32 s16, s28  }
0x270: {  	s12 =	sor.u32 s14, s10;
	[tilespmem:s6+$0x0] =	vst v5  }
0x271: {  	s18 =	sor.u32 s3, s10;
	v5 =	vld.idx.msk [tilespmem:v23+s5+$0x0], $0xffff;
	[tilespmem:s12+$0x0] =	vst v1  }
0x272: {  	s20 =	sor.u32 s11, s10;
	v1 =	vld.idx.msk [tilespmem:v42+s5+$0x0], $0xffff;
	[tilespmem:s18+$0x0] =	vst v3  }
0x273: {  	v3 =	vld.idx.msk [tilespmem:v22+s5+$0x0], $0xffff;
	[tilespmem:s20+$0x0] =	vst v4  }
0x274: {  	v4 =	vld.idx.msk [tilespmem:v20+s5+$0x0], $0xffff  }
0x275: {  	s22 =	sadd.s32 $0xF100, s2;
	s6 =	sor.u32 s16, s10  }
0x276: {  	s24 =	sor.u32 s14, s22;
	[tilespmem:s6+$0x0] =	vst v5  }
0x277: {  	s25 =	sor.u32 s3, s22;
	[tilespmem:s24+$0x0] =	vst v1  }
0x278: {  	s26 =	sor.u32 s11, s22;
	[tilespmem:s25+$0x0] =	vst v3  }
0x279: {  	[tilespmem:s26+$0x0] =	vst v4  }
0x27a: {  	v43 =	vadd.s32 $0x140A, v0;
	v3 =	vld [tilespmem:$0x1FF70]  }
0x27b: {  	v5 =	vld.idx.msk [tilespmem:v14+s5+$0x0], $0xffff;
	_ =	sdelay $0x3  }
0x27c: {  	s6 =	sor.u32 s16, s22;
	v1 =	vld.idx.msk [tilespmem:v43+s5+$0x0], $0xffff  }
0x27d: {  	v49 =	vadd.s32 $0x160B, v0;
	[tilespmem:s6+$0x0] =	vst v5;
	v4 =	vld.idx.msk [tilespmem:v18+s5+$0x0], $0xffff  }
0x27e: {  	v5 =	vld.idx.msk [tilespmem:v17+s5+$0x0], $0xffff  }
0x27f: {  	s28 =	sadd.s32 $0xF180, s2;
	v3 =	vld.idx.msk [tilespmem:v3+s5+$0x0], $0xffff  }
0x280: {  	s29 =	sor.u32 s14, s28  }
0x281: {  	s10 =	sor.u32 s11, s28;
	[tilespmem:s29+$0x0] =	vst v1  }
0x282: {  	s6 =	sor.u32 s16, s28;
	v1 =	vld.idx.msk [tilespmem:v49+s5+$0x0], $0xffff;
	[tilespmem:s10+$0x0] =	vst v4  }
0x283: {  	v51 =	vadd.s32 $0x180C, v0;
	s8 =	sor.u32 s3, s28;
	[tilespmem:s6+$0x0] =	vst v5;
	v4 =	vld.idx.msk [tilespmem:v15+s5+$0x0], $0xffff  }
0x284: {  	v5 =	vld.idx.msk [tilespmem:v19+s5+$0x0], $0xffff;
	[tilespmem:s8+$0x0] =	vst v3  }
0x285: {  	s12 =	sadd.s32 $0xF200, s2;
	v3 =	vld.idx.msk [tilespmem:v56+s5+$0x0], $0xffff  }
0x286: {  	s18 =	sor.u32 s14, s12;
	[tilespmem:s1+$0x0] =	vst v38  }
0x287: {  	s22 =	sor.u32 s11, s12;
	[tilespmem:s18+$0x0] =	vst v1  }
0x288: {  	s24 =	sor.u32 s16, s12;
	v1 =	vld.idx.msk [tilespmem:v51+s5+$0x0], $0xffff;
	[tilespmem:s22+$0x0] =	vst v4  }
0x289: {  	v52 =	vadd.s32 $0x1A0D, v0;
	s20 =	sor.u32 s3, s12;
	[tilespmem:s24+$0x0] =	vst v5;
	v4 =	vld.idx.msk [tilespmem:v12+s5+$0x0], $0xffff  }
0x28a: {  	v5 =	vld.idx.msk [tilespmem:v13+s5+$0x0], $0xffff;
	[tilespmem:s20+$0x0] =	vst v3  }
0x28b: {  	s25 =	sadd.s32 $0xF280, s2;
	[tilespmem:s23+$0x0] =	vst v37;
	v3 =	vld.idx.msk [tilespmem:v50+s5+$0x0], $0xffff  }
0x28c: {  	s26 =	sor.u32 s14, s25;
	[tilespmem:s17+$0x0] =	vst v34;
	v6 =	vld.idx.msk [tilespmem:v6+s5+$0x0], $0xffff  }
0x28d: {  	v7 =	vld.idx.msk [tilespmem:v48+s5+$0x0], $0xffff;
	s29 =	sor.u32 s11, s25;
	[tilespmem:s26+$0x0] =	vst v1  }
0x28e: {  	s1 =	sor.u32 s16, s25;
	v1 =	vld.idx.msk [tilespmem:v52+s5+$0x0], $0xffff;
	[tilespmem:s29+$0x0] =	vst v4  }
0x28f: {  	v53 =	vadd.s32 $0x1C0E, v0;
	s28 =	sor.u32 s3, s25;
	[tilespmem:s1+$0x0] =	vst v5;
	v4 =	vld.idx.msk [tilespmem:v10+s5+$0x0], $0xffff  }
0x290: {  	v5 =	vld.idx.msk [tilespmem:v11+s5+$0x0], $0xffff;
	[tilespmem:s28+$0x0] =	vst v3  }
0x291: {  	s7 =	sadd.s32 $0xF300, s2;
	[tilespmem:s19+$0x0] =	vst v6;
	v3 =	vld.idx.msk [tilespmem:v9+s5+$0x0], $0xffff  }
0x292: {  	v54 =	vld.idx.msk [tilespmem:v47+s5+$0x0], $0xffff;
	[tilespmem:s21+$0x0] =	vst v7;
	s8 =	sor.u32 s14, s7  }
0x293: {  	s12 =	sor.u32 s11, s7;
	v55 =	vld.idx.msk [tilespmem:v45+s5+$0x0], $0xffff;
	[tilespmem:s8+$0x0] =	vst v1  }
0x294: {  	s1 =	sor.u32 s16, s7;
	v1 =	vld.idx.msk [tilespmem:v53+s5+$0x0], $0xffff;
	[tilespmem:s12+$0x0] =	vst v4  }
0x295: {  	s10 =	sor.u32 s3, s7;
	v56 =	vadd.s32 $0x1E0F, v0;
	[tilespmem:s1+$0x0] =	vst v5;
	v58 =	vld.idx.msk [tilespmem:v33+s5+$0x0], $0xffff  }
0x296: {  	v59 =	vld.idx.msk [tilespmem:v28+s5+$0x0], $0xffff;
	[tilespmem:s10+$0x0] =	vst v3  }
0x297: {  	[tilespmem:s13+$0x0] =	vst v54;
	s13 =	sadd.s32 $0xF380, s2;
	v57 =	vld.idx.msk [tilespmem:v32+s5+$0x0], $0xffff  }
0x298: {  	v60 =	vld.idx.msk [tilespmem:v44+s5+$0x0], $0xffff;
	s17 =	sor.u32 s14, s13;
	[tilespmem:s15+$0x0] =	vst v55  }
0x299: {  	v6 =	vld.idx.msk [tilespmem:v46+s5+$0x0], $0xffff;
	s19 =	sor.u32 s11, s13;
	[tilespmem:s17+$0x0] =	vst v1  }
0x29a: {  	s1 =	sor.u32 s16, s13;
	v0 =	vld.idx.msk [tilespmem:v56+s5+$0x0], $0xffff;
	[tilespmem:s19+$0x0] =	vst v58  }
0x29b: {  	s18 =	sor.u32 s3, s13;
	[tilespmem:s1+$0x0] =	vst v59;
	v62 =	vld.idx.msk [tilespmem:v26+s5+$0x0], $0xffff  }
0x29c: {  	v63 =	vld.idx.msk [tilespmem:v21+s5+$0x0], $0xffff;
	[tilespmem:s18+$0x0] =	vst v57  }
0x29d: {  	[tilespmem:s9+$0x0] =	vst v60;
	s20 =	sadd.s32 $0xF400, s2;
	v61 =	vld.idx.msk [tilespmem:v25+s5+$0x0], $0xffff  }
0x29e: {  	[tilespmem:s4+$0x0] =	vst v6;
	s2 =	sor.u32 s14, s20  }
0x29f: {  	s22 =	sor.u32 s11, s20;
	[tilespmem:s2+$0x0] =	vst v0  }
0x2a0: {  	s1 =	sor.u32 s16, s20;
	[tilespmem:s22+$0x0] =	vst v62  }
0x2a1: {  	s21 =	sor.u32 s3, s20;
	[tilespmem:s1+$0x0] =	vst v63  }
0x2a2: {  	[tilespmem:s21+$0x0] =	vst v61  }
0x2a3: {  	s23 =	simm.s32 $0xB080;
	s1 =	rddreg [dreg:$0x8]  }
0x2a4: {  	s24 =	sadd.s32 $0x3, s31;
	s25 =	rddreg [dreg:$0x5];
	s0 =	sadd.s32 s0, s1  }
0x2a5: {  	[hbm4b:s0+s5] =	stream.linear.scatter [tilespmem:s23], [sflag:$0x4], $0x8000, $0x38;
	[tilespmem:$0x13080] =	vst v63  }
0x2a6: {  	s0 =	smin.u32 s24, s25  }
0x2a7: {  	s1 =	sshll.u32 s0, $0x4  }
0x2a8: {  	s26 =	rddreg [dreg:$0x0];
	s0 =	sshll.u32 s0, $0x8;
	s1 =	sand.u32 $0x70, s1  }
0x2a9: {  	s0 =	sand.u32 $0x7F800, s0;
	s1 =	sadd.s32 s26, s1  }
0x2aa: {  	s28 =	simm.s32 $0x2100;
	s0 =	sadd.s32 s0, s1  }
0x2ab: {  	[tilespmem:s28], [sflag:$0x2] =	stream.linear.gather [hbm4b:s0+s5], $0x80, $0x38;
	[tilespmem:$0x13080] =	vst v63  }
0x2ac: {  	s31 =	simm.s32 $0x2200;
	s29 =	sadd.s32 $0x80, s0  }
0x2ad: {  	[tilespmem:s31], [sflag:$0x2] =	stream.linear.gather [hbm4b:s29+s5], $0x80, $0x38;
	[tilespmem:$0x13080] =	vst v63  }
0x2ae: {  	s3 =	simm.s32 $0x2300;
	s2 =	sadd.s32 $0x100, s0  }
0x2af: {  	[tilespmem:s3], [sflag:$0x2] =	stream.linear.gather [hbm4b:s2+s5], $0x80, $0x38;
	[tilespmem:$0x13080] =	vst v63  }
0x2b0: {  	s6 =	simm.s32 $0x2400;
	s4 =	sadd.s32 $0x180, s0  }
0x2b1: {  	[tilespmem:s6], [sflag:$0x2] =	stream.linear.gather [hbm4b:s4+s5], $0x80, $0x38;
	[tilespmem:$0x13080] =	vst v63  }
0x2b2: {  	s8 =	simm.s32 $0x2500;
	s7 =	sadd.s32 $0x200, s0  }
0x2b3: {  	[tilespmem:s8], [sflag:$0x2] =	stream.linear.gather [hbm4b:s7+s5], $0x80, $0x38;
	[tilespmem:$0x13080] =	vst v63  }
0x2b4: {  	s10 =	simm.s32 $0x2600;
	s9 =	sadd.s32 $0x280, s0  }
0x2b5: {  	[tilespmem:s10], [sflag:$0x2] =	stream.linear.gather [hbm4b:s9+s5], $0x80, $0x38;
	[tilespmem:$0x13080] =	vst v63  }
0x2b6: {  	s12 =	simm.s32 $0x2700;
	s11 =	sadd.s32 $0x300, s0  }
0x2b7: {  	[tilespmem:s12], [sflag:$0x2] =	stream.linear.gather [hbm4b:s11+s5], $0x80, $0x38;
	[tilespmem:$0x13080] =	vst v63  }
0x2b8: {  	s14 =	simm.s32 $0x2800;
	s13 =	sadd.s32 $0x380, s0  }
0x2b9: {  	[tilespmem:s14], [sflag:$0x2] =	stream.linear.gather [hbm4b:s13+s5], $0x80, $0x38;
	[tilespmem:$0x13080] =	vst v63  }
0x2ba: {  	s16 =	simm.s32 $0x2900;
	s15 =	sadd.s32 $0x400, s0  }
0x2bb: {  	[tilespmem:s16], [sflag:$0x2] =	stream.linear.gather [hbm4b:s15+s5], $0x80, $0x38;
	[tilespmem:$0x13080] =	vst v63  }
0x2bc: {  	s18 =	simm.s32 $0x2A00;
	s17 =	sadd.s32 $0x480, s0  }
0x2bd: {  	[tilespmem:s18], [sflag:$0x2] =	stream.linear.gather [hbm4b:s17+s5], $0x80, $0x38;
	[tilespmem:$0x13080] =	vst v63  }
0x2be: {  	s20 =	simm.s32 $0x2B00;
	s19 =	sadd.s32 $0x500, s0  }
0x2bf: {  	[tilespmem:s20], [sflag:$0x2] =	stream.linear.gather [hbm4b:s19+s5], $0x80, $0x38;
	[tilespmem:$0x13080] =	vst v63  }
0x2c0: {  	s22 =	simm.s32 $0x2C00;
	s21 =	sadd.s32 $0x580, s0  }
0x2c1: {  	[tilespmem:s22], [sflag:$0x2] =	stream.linear.gather [hbm4b:s21+s5], $0x80, $0x38;
	[tilespmem:$0x13080] =	vst v63  }
0x2c2: {  	s30 =	sadd.s32 $0x1, s30;
	s24 =	simm.s32 $0x2D00;
	s23 =	sadd.s32 $0x600, s0  }
0x2c3: {  	[tilespmem:s24], [sflag:$0x2] =	stream.linear.gather [hbm4b:s23+s5], $0x80, $0x38;
	[tilespmem:$0x13080] =	vst v63  }
0x2c4: {  	p0 =	sne.s32 s30, $0x20;
	s26 =	simm.s32 $0x2E00;
	s25 =	sadd.s32 $0x680, s0  }
0x2c5: {  	[tilespmem:s26], [sflag:$0x2] =	stream.linear.gather [hbm4b:s25+s5], $0x80, $0x38;
	[tilespmem:$0x13080] =	vst v63  }
.Ltmp2:
0x2c6: {  	_ = 	snop;
	(pc) =	sbr.rel @p0 .LBB2_2-.Ltmp2, $4  }
0x2c7: {  	s28 =	sadd.s32 $0x700, s0;
	s29 =	simm.s32 $0x2F00  }
0x2c8: {  	[tilespmem:s29], [sflag:$0x2] =	stream.linear.gather [hbm4b:s28+s5], $0x80, $0x38;
	[tilespmem:$0x13080] =	vst v63  }
0x2c9: {  	s0 =	sadd.s32 $0x780, s0;
	s31 =	simm.s32 $0x3000  }
0x2ca: {  	[tilespmem:s31], [sflag:$0x2] =	stream.linear.gather [hbm4b:s0+s5], $0x80, $0x38;
	[tilespmem:$0x13080] =	vst v63  }
0x2cb: {  	s0 =	simm.s32 $0x1  }
0x2cc: {  	_ =	swait.ge [sflag:s0], $0x800  }
0x2cd: {  	[sflag:s0] =	ssyncset.done $0x0  }
0x2ce: {  	s29 =	simm.s32 $0x2;
	[sflag:s0] =	ssyncadd.s32 $0xFFFFF800  }
0x2cf: {  	_ =	swait.ge [sflag:s29], $0x800  }
0x2d0: {  	[sflag:s29] =	ssyncset.done $0x0  }
0x2d1: {  	s30 =	simm.s32 $0x3;
	[sflag:s29] =	ssyncadd.s32 $0xFFFFF800  }
0x2d2: {  	_ =	swait.ge [sflag:s30], $0x8000  }
0x2d3: {  	[sflag:s30] =	ssyncset.done $0x0  }
0x2d4: {  	s1 =	simm.s32 $0x4;
	[sflag:s30] =	ssyncadd.s32 $0xFFFF8000  }
0x2d5: {  	_ =	swait.ge [sflag:s1], $0x8000  }
0x2d6: {  	s2 =	rddreg [dreg:$0x12]  }
0x2d7: {  	s31 =	rddreg [dreg:$0x9];
	s2 =	sadd.s32 $0x1, s2  }
0x2d8: {  	p0 =	sne.s32 s2, s31  }
.Ltmp3:
0x2d9: {  	_ = 	snop;
	(pc) =	sbr.rel @p0 .LBB2_1-.Ltmp3, $3  }
0x2da: {  	_ =	sdelay $0x1  }
0x2db: {  	[sflag:s1] =	ssyncset.done $0x0  }
0x2dc: {  	[sflag:s1] =	ssyncadd.s32 $0xFFFF8000  }
0x2dd: {  	_ =	sfence.sel $0x180000  }
0x2de: {  	[bflag:$0x0] =	sbarrier.arrive $0xFFFF  }
0x2df: {  	_ =	strace $0x90000047  }
0x2e0: {  	s0 =	stileid.u32;
	[bflag:$0x2] =	sbarrier.arrive $0xFFFF  }
0x2e1: {  	p0 =	sne.s32 s0, $0x0;
	s0 =	rddreg [dreg:$0x3]  }
0x2e2: {  	s0 =	sadd.s32 @!p0 $0x100000, s0  }
0x2e3: {  	[sflag:s0] =	ssyncadd.tile.s32 @!p0 $0x1;
	_ =	shalt  }
.Lfunc_end2:
_tile_overlayer_lowered:
.L_overlay_start_2:
0x2e4: {  	(tag) =	ssettag $0x2  }
0x2e5: {  	s0 =	rddreg [dreg:$0x0];
	s2 =	stileid.u32  }
0x2e6: {  	s1 =	rddreg [dreg:$0x1];
	p0 =	sne.s32 s2, $0x0  }
0x2e7: {  	s3 =	rddreg [dreg:$0x2];
	[bflag:$0x3] =	sbarrier.arrive $0xFFFF;
	s2 =	simm.s32 @!p0 $0x1C05  }
0x2e8: {  	[timem:s3], [sflag:s2] =	dma.local @!p0 [hbm:s0], s1  }
0x2e9: {  	s0 =	simm.s32 @!p0 $0x5  }
0x2ea: {  	_ =	swait.ge @!p0 [sflag:s0], s1  }
0x2eb: {  	s1 =	ssub.s32 @!p0 $0x0, s1;
	[sflag:s0] =	ssyncset.done @!p0 $0x0  }
0x2ec: {  	[sflag:s0] =	ssyncadd.s32 @!p0 s1  }
0x2ed: {  	[bflag:$0x3] =	sbarrier.arrive $0xFFFF  }
0x2ee: {  	_ =	shalt  }

</sc_bundles>
